<compile_context>
chip_gen: v7x
topology: tpu7x:2x2x1
jax: 0.10.2.dev20260603
libtpu: 0.0.44.dev20260713+nightly
codegen_flags: <defaults>
</compile_context>

<pallas_src>
import functools

import jax
import jax.numpy as jnp
from jax.experimental import pallas as pl
from jax.experimental.pallas import tpu as pltpu
from jax.experimental.pallas import tpu_sc as plsc

_NB = 8
_BN = 8192 // _NB
_NBATCH = 16
_TOK = 1024
_D = 256

_WIN = 2736


def _segments(k):
    segs = []
    blk_lo, blk_hi = k * _BN, (k + 1) * _BN
    for w in range(3):
        w_lo, w_hi = w * _WIN, min((w + 1) * _WIN, 8192)
        lo, hi = max(blk_lo, w_lo), min(blk_hi, w_hi)
        if lo < hi:
            segs.append((lo - blk_lo, hi - blk_lo, w))
    return segs


def _round_bf16(v):
    b = jax.lax.bitcast_convert_type(v, jnp.int32)
    r = (b + jnp.int32(0x7FFF) + ((b >> 16) & jnp.int32(1))) \
        & jnp.int32(-65536)
    return jax.lax.bitcast_convert_type(r, jnp.float32)


def _dist_argmin_kernel(x2_ref, e2_ref, x_ref, em2_ref, idx_ref, wmin_ref,
                        widx_ref):
    n = pl.program_id(1)
    bn = em2_ref.shape[0]
    tok = x_ref.shape[2]
    nb = pl.num_programs(1)
    d = jax.lax.dot_general(
        em2_ref[...], x_ref[0],
        dimension_numbers=(((1,), (0,)), ((), ())),
        preferred_element_type=jnp.float32)
    s = jnp.maximum((x2_ref[0] + e2_ref[...]) + d, 0.0)
    riota = jax.lax.broadcasted_iota(jnp.int32, (bn, tok), 0)
    inf = jnp.float32(jnp.inf)

    @pl.when(n == 0)
    def _():
        wmin_ref[...] = jnp.full(wmin_ref.shape, inf, jnp.float32)
        widx_ref[...] = jnp.zeros(widx_ref.shape, jnp.int32)

    for k in range(_NB):
        @pl.when(n == k)
        def _(k=k):
            for (lo, hi, w) in _segments(k):
                sm = s[lo:hi]
                lmin = jnp.min(sm, axis=0, keepdims=True)
                larg = jnp.min(
                    jnp.where(sm == lmin, riota[lo:hi], jnp.int32(2 ** 30)),
                    axis=0, keepdims=True) + k * bn
                prev = wmin_ref[pl.ds(w, 1), :]
                take = lmin < prev
                wmin_ref[pl.ds(w, 1), :] = jnp.where(take, lmin, prev)
                widx_ref[pl.ds(w, 1), :] = jnp.where(
                    take, larg, widx_ref[pl.ds(w, 1), :])

    @pl.when(n == nb - 1)
    def _():
        acc = _round_bf16(wmin_ref[pl.ds(0, 1), :])
        idx = widx_ref[pl.ds(0, 1), :]
        for w in (1, 2):
            v = wmin_ref[pl.ds(w, 1), :]
            take = v < acc
            acc = jnp.where(take, _round_bf16(v), acc)
            idx = jnp.where(take, widx_ref[pl.ds(w, 1), :], idx)
        idx_ref[0] = idx


def _encode_kernel(idxs_ref, enc_ref, perp_ref, hist_ref):
    b = pl.program_id(0)
    n = pl.program_id(1)
    nbat = pl.num_programs(0)
    nb = pl.num_programs(1)
    tok, bn = enc_ref.shape
    cols = jax.lax.broadcasted_iota(jnp.int32, (tok, bn), 1) + n * bn
    t_oh = (idxs_ref[0] == cols).astype(jnp.float32)
    enc_ref[...] = t_oh
    colsum = jnp.sum(t_oh, axis=0, keepdims=True)

    @pl.when(b == 0)
    def _():
        hist_ref[pl.ds(n, 1), :] = colsum

    @pl.when(b > 0)
    def _():
        hist_ref[pl.ds(n, 1), :] = hist_ref[pl.ds(n, 1), :] + colsum

    @pl.when((b == nbat - 1) & (n == nb - 1))
    def _():
        p = hist_ref[...] * (1.0 / 16384.0)
        plogp = p * jnp.log(p + 1e-10)
        perp_ref[0, 0] = jnp.exp(-jnp.sum(plogp))


def _ste_kernel(q_ref, x_ref, out_ref, loss_ref, lsum_ref):
    b = pl.program_id(0)
    nbat = pl.num_programs(0)
    qt = jnp.transpose(q_ref[0], (1, 0))
    xb = x_ref[0]
    diff = xb - qt
    ss = jnp.sum(diff * diff)

    @pl.when(b == 0)
    def _():
        lsum_ref[0] = ss

    @pl.when(b > 0)
    def _():
        lsum_ref[0] = lsum_ref[0] + ss

    out_ref[0] = xb + (qt - xb)

    @pl.when(b == nbat - 1)
    def _():
        loss_ref[0, 0] = 0.25 * (lsum_ref[0] / (16384.0 * 256.0))


_SC_NC = 2
_SC_NS = 16
_SC_CH = 128


def _sc_gather(codebook, idx_flat):
    nw = _SC_NC * _SC_NS
    bpw = 16384 // nw
    mesh = plsc.VectorSubcoreMesh(core_axis_name="c", subcore_axis_name="s")

    nch = bpw // _SC_CH

    @functools.partial(
        pl.kernel, mesh=mesh,
        out_type=jax.ShapeDtypeStruct((16384, _D), jnp.float32),
        scratch_types=[
            pltpu.VMEM((nch, _SC_CH), jnp.int32),
            pltpu.VMEM((2, _SC_CH, _D), jnp.float32),
            pltpu.SemaphoreType.DMA,
            pltpu.SemaphoreType.DMA,
            pltpu.SemaphoreType.DMA,
            pltpu.SemaphoreType.DMA,
        ],
    )
    def k(table_hbm, idx2_hbm, out_hbm, idx_v, rows_v, gsem0, gsem1,
          osem0, osem1):
        wid = jax.lax.axis_index("s") * _SC_NC + jax.lax.axis_index("c")
        base = wid * bpw
        pltpu.sync_copy(idx2_hbm.at[pl.ds(wid * nch, nch)], idx_v)
        gsems = (gsem0, gsem1)
        osems = (osem0, osem1)
        g_prev = pltpu.async_copy(
            table_hbm.at[idx_v.at[0]], rows_v.at[0], gsems[0])
        out_pending = [None, None]
        for c in range(nch):
            g_prev.wait()
            if c + 1 < nch:
                b = (c + 1) % 2
                if out_pending[b] is not None:
                    out_pending[b].wait()
                    out_pending[b] = None
                g_prev = pltpu.async_copy(
                    table_hbm.at[idx_v.at[c + 1]], rows_v.at[b], gsems[b])
            out_pending[c % 2] = pltpu.async_copy(
                rows_v.at[c % 2],
                out_hbm.at[pl.ds(base + c * _SC_CH, _SC_CH)], osems[c % 2])
        for o in out_pending:
            if o is not None:
                o.wait()

    return k(codebook, idx_flat.reshape(nw * nch, _SC_CH))


def _argmin_call(x2in, e2in, xv, em2):
    return pl.pallas_call(
        _dist_argmin_kernel,
        grid=(_NBATCH, _NB),
        in_specs=[
            pl.BlockSpec((1, 1, _TOK), lambda b, n: (b, 0, 0)),
            pl.BlockSpec((_BN, 1), lambda b, n: (n, 0)),
            pl.BlockSpec((1, _D, _TOK), lambda b, n: (b, 0, 0)),
            pl.BlockSpec((_BN, _D), lambda b, n: (n, 0)),
        ],
        out_specs=pl.BlockSpec((1, 1, _TOK), lambda b, n: (b, 0, 0)),
        out_shape=jax.ShapeDtypeStruct((_NBATCH, 1, _TOK), jnp.int32),
        scratch_shapes=[
            pltpu.VMEM((8, _TOK), jnp.float32),
            pltpu.VMEM((8, _TOK), jnp.int32),
        ],
        compiler_params=pltpu.CompilerParams(
            dimension_semantics=("arbitrary", "arbitrary")),
    )(x2in, e2in, xv, em2)


def _argmin_only(inputs, codebook):
    xv = inputs.reshape(_NBATCH, _D, _TOK)
    flat = jax.lax.optimization_barrier(
        jnp.transpose(inputs, (0, 2, 3, 1)).reshape(-1, _D))
    x2 = jnp.sum(flat ** 2, axis=1)
    e2 = jnp.sum(codebook ** 2, axis=1)
    return _argmin_call(x2.reshape(_NBATCH, 1, _TOK), e2.reshape(8192, 1),
                        xv, -2.0 * codebook)


def _run(inputs, codebook):
    xv = inputs.reshape(_NBATCH, _D, _TOK)
    flat = jax.lax.optimization_barrier(
        jnp.transpose(inputs, (0, 2, 3, 1)).reshape(-1, _D))
    x2 = jnp.sum(flat ** 2, axis=1)
    e2 = jnp.sum(codebook ** 2, axis=1)
    x2in = x2.reshape(_NBATCH, 1, _TOK)
    e2in = e2.reshape(8192, 1)

    idx = _argmin_call(x2in, e2in, xv, -2.0 * codebook)

    qf = _sc_gather(codebook, idx.reshape(16384))
    qn = qf.reshape(_NBATCH, _TOK, _D)

    idxs = idx.reshape(_NBATCH, _TOK, 1)
    enc, perp2d = pl.pallas_call(
        _encode_kernel,
        grid=(_NBATCH, _NB),
        in_specs=[
            pl.BlockSpec((1, _TOK, 1), lambda b, n: (b, 0, 0)),
        ],
        out_specs=[
            pl.BlockSpec((_TOK, _BN), lambda b, n: (b, n)),
            pl.BlockSpec(memory_space=pltpu.SMEM),
        ],
        out_shape=[
            jax.ShapeDtypeStruct((_NBATCH * _TOK, 8192), jnp.float32),
            jax.ShapeDtypeStruct((1, 1), jnp.float32),
        ],
        scratch_shapes=[
            pltpu.VMEM((_NB, _BN), jnp.float32),
        ],
        compiler_params=pltpu.CompilerParams(
            dimension_semantics=("arbitrary", "arbitrary")),
    )(idxs)

    qv, loss2d = pl.pallas_call(
        _ste_kernel,
        grid=(_NBATCH,),
        in_specs=[
            pl.BlockSpec((1, _TOK, _D), lambda b: (b, 0, 0)),
            pl.BlockSpec((1, _D, _TOK), lambda b: (b, 0, 0)),
        ],
        out_specs=[
            pl.BlockSpec((1, _D, _TOK), lambda b: (b, 0, 0)),
            pl.BlockSpec(memory_space=pltpu.SMEM),
        ],
        out_shape=[
            jax.ShapeDtypeStruct((_NBATCH, _D, _TOK), jnp.float32),
            jax.ShapeDtypeStruct((1, 1), jnp.float32),
        ],
        scratch_shapes=[
            pltpu.SMEM((1,), jnp.float32),
        ],
        compiler_params=pltpu.CompilerParams(
            dimension_semantics=("arbitrary",)),
    )(qn, xv)

    quantized = qv.reshape(_NBATCH, _D, 32, 32)
    return (quantized, loss2d.reshape(()), perp2d.reshape(()), enc)


def kernel(inputs, codebook):
    return _run(inputs, codebook)

# --- scband reference (transcript-rebuilt; emitter-appended) ---
"""Pipeline reference for scband-vector-quantizer-55894704390445 (READ-ONLY COPY).

The authoritative reference and input builder live on the scoring server;
editing this copy changes nothing except your own understanding.
"""

import jax, jax.numpy as jnp
import numpy as np

NUM_EMBEDDINGS = 8192
EMBEDDING_DIM = 256
COMMITMENT_COST = 0.25


def setup_inputs(seed: int = 0) -> dict:
    key = jax.random.key(seed)
    k1, k2 = jax.random.split(key)
    inputs = jax.random.normal(k1, (16, 256, 32, 32), dtype=jnp.float32)
    # learned codebook (nn.Embedding weight, initialized normal_() in torch)
    codebook = jax.random.normal(k2, (NUM_EMBEDDINGS, EMBEDDING_DIM), dtype=jnp.float32)
    return {"inputs": inputs, "codebook": codebook}


def reference(inputs, codebook):
    # eval-mode forward (no EMA buffer updates)
    # permute NCHW -> NHWC
    x = jnp.transpose(inputs, (0, 2, 3, 1))
    input_shape = x.shape
    flat_input = x.reshape(-1, EMBEDDING_DIM)
    # squared euclidean distances (torch.cdist(...)**2)
    x2 = jnp.sum(flat_input ** 2, axis=1, keepdims=True)
    e2 = jnp.sum(codebook ** 2, axis=1)[None, :]
    distances = jnp.maximum(x2 + e2 - 2.0 * (flat_input @ codebook.T), 0.0)
    encoding_indices = jnp.argmin(distances, axis=1)
    encodings = jax.nn.one_hot(encoding_indices, NUM_EMBEDDINGS, dtype=jnp.float32)
    quantized_flat = jnp.take(codebook, encoding_indices, axis=0)
    # commitment loss with detached codebook vectors
    loss = COMMITMENT_COST * jnp.mean((flat_input - jax.lax.stop_gradient(quantized_flat)) ** 2)
    quantized = quantized_flat.reshape(input_shape)
    # straight-through estimator
    quantized = x + jax.lax.stop_gradient(quantized - x)
    # permute back NHWC -> NCHW
    quantized = jnp.transpose(quantized, (0, 3, 1, 2))
    avg_probs = jnp.mean(encodings, axis=0)
    perplexity = jnp.exp(-jnp.sum(avg_probs * jnp.log(avg_probs + 1e-10)))
    return (quantized, loss, perplexity, encodings)

if __name__ == "__main__":
    import jax
    _d = setup_inputs()
    print(jax.jit(kernel)(*tuple(_d.values())))

</pallas_src>

<mosaic_0001>
#map = affine_map<(d0, d1) -> (0, 0)>
module attributes {stable_mosaic.version = 14 : i64} {
  func.func @k(%arg0: i32, %arg1: i32, %arg2: memref<8192x256xf32, #tpu.memory_space<hbm>>, %arg3: memref<128x128xi32, #tpu.memory_space<hbm>>, %arg4: memref<16384x256xf32, #tpu.memory_space<hbm>>, %arg5: memref<4x128xi32, #tpu.memory_space<vmem>>, %arg6: memref<2x128x256xf32, #tpu.memory_space<vmem>>, %arg7: memref<!tpu.dma_semaphore, #tpu.memory_space<semaphore_mem>>, %arg8: memref<!tpu.dma_semaphore, #tpu.memory_space<semaphore_mem>>, %arg9: memref<!tpu.dma_semaphore, #tpu.memory_space<semaphore_mem>>, %arg10: memref<!tpu.dma_semaphore, #tpu.memory_space<semaphore_mem>>) attributes {dimension_semantics = [#tpu.dimension_semantics<core_parallel>, #tpu.dimension_semantics<subcore_parallel>], iteration_bounds = array<i64: 2, 16>, scalar_prefetch = 0 : i64, scratch_operands = 6 : i64, tpu.core_type = #tpu.core_type<sc_vector_subcore>, window_params = [{transform_indices = #map}, {transform_indices = #map}, {transform_indices = #map}]} {
    %mul3A = arith.constant 2 : i32
    %mul3A_0 = arith.muli %arg1, %mul3A : i32
    %add3A = arith.addi %mul3A_0, %arg0 : i32
    %mul3A_1 = arith.constant 512 : i32
    %mul3A_2 = arith.muli %add3A, %mul3A_1 : i32
    %mul3A_3 = arith.constant 4 : i32
    %mul3A_4 = arith.muli %add3A, %mul3A_3 : i32
    "tpu.region"() ({
      %run_scoped3A = tpu.sem_alloc : memref<!tpu.dma_semaphore, #tpu.memory_space<semaphore_mem>>
      %dma_start3A_211 = arith.constant 0 : i32
      %dma_start3A_212 = tpu.memref_slice %arg3[%mul3A_4, %dma_start3A_211] : memref<128x128xi32, #tpu.memory_space<hbm>> -> memref<4x128xi32, #tpu.memory_space<hbm>>
      %dma_start3A_213 = arith.constant 0 : i32
      %dma_start3A_214 = tpu.memref_slice %arg3[%mul3A_4, %dma_start3A_213] : memref<128x128xi32, #tpu.memory_space<hbm>> -> memref<4x128xi32, #tpu.memory_space<hbm>>
      tpu.enqueue_dma source(%dma_start3A_214 : memref<4x128xi32, #tpu.memory_space<hbm>>) target(%arg5 : memref<4x128xi32, #tpu.memory_space<vmem>>) target_semaphore(%run_scoped3A : memref<!tpu.dma_semaphore, #tpu.memory_space<semaphore_mem>>)
      %dma_wait3A_215 = arith.constant 0 : i32
      %dma_wait3A_216 = tpu.memref_slice %arg3[%mul3A_4, %dma_wait3A_215] : memref<128x128xi32, #tpu.memory_space<hbm>> -> memref<4x128xi32, #tpu.memory_space<hbm>>
      %dma_wait3A_217 = arith.constant 0 : i32
      %dma_wait3A_218 = tpu.memref_slice %arg3[%mul3A_4, %dma_wait3A_217] : memref<128x128xi32, #tpu.memory_space<hbm>> -> memref<4x128xi32, #tpu.memory_space<hbm>>
      tpu.wait_dma2 semaphore(%run_scoped3A : memref<!tpu.dma_semaphore, #tpu.memory_space<semaphore_mem>>) src(%dma_wait3A_218 : memref<4x128xi32, #tpu.memory_space<hbm>>) dst(%arg5 : memref<4x128xi32, #tpu.memory_space<vmem>>)
      tpu.yield
    }) : () -> ()
    %dma_start3A = arith.constant 0 : i32
    %dma_start3A_5 = arith.constant 0 : i32
    %dma_start3A_6 = arith.constant 0 : i32
    %dma_start3A_7 = arith.constant 0 : i32
    %dma_start3A_8 = tpu.memref_slice %arg6[%dma_start3A_5, %dma_start3A_6, %dma_start3A_7] : memref<2x128x256xf32, #tpu.memory_space<vmem>> -> memref<1x128x256xf32, #tpu.memory_space<vmem>>
    %dma_start3A_9 = tpu.memref_squeeze %dma_start3A_8 : memref<1x128x256xf32, #tpu.memory_space<vmem>> -> memref<128x256xf32, #tpu.memory_space<vmem>>
    %dma_start3A_10 = arith.constant 0 : i32
    %dma_start3A_11 = tpu.memref_slice %arg5[%dma_start3A, %dma_start3A_10] : memref<4x128xi32, #tpu.memory_space<vmem>> -> memref<1x128xi32, #tpu.memory_space<vmem>>
    %dma_start3A_12 = tpu.memref_squeeze %dma_start3A_11 : memref<1x128xi32, #tpu.memory_space<vmem>> -> memref<128xi32, #tpu.memory_space<vmem>>
    %dma_start3A_13 = arith.constant 0 : i32
    %dma_start3A_14 = arith.constant 0 : i32
    %dma_start3A_15 = tpu.memref_slice %arg2[%dma_start3A_13, %dma_start3A_14] : memref<8192x256xf32, #tpu.memory_space<hbm>> -> memref<8192x256xf32, #tpu.memory_space<hbm>>
    tpu.enqueue_indirect_dma source(%dma_start3A_15 : memref<8192x256xf32, #tpu.memory_space<hbm>>) target(%dma_start3A_9 : memref<128x256xf32, #tpu.memory_space<vmem>>) offsets(%dma_start3A_12 : memref<128xi32, #tpu.memory_space<vmem>>) semaphore(%arg7 : memref<!tpu.dma_semaphore, #tpu.memory_space<semaphore_mem>>)
    %dma_wait3A = arith.constant 0 : i32
    %dma_wait3A_16 = arith.constant 0 : i32
    %dma_wait3A_17 = arith.constant 0 : i32
    %dma_wait3A_18 = arith.constant 0 : i32
    %dma_wait3A_19 = tpu.memref_slice %arg6[%dma_wait3A_16, %dma_wait3A_17, %dma_wait3A_18] : memref<2x128x256xf32, #tpu.memory_space<vmem>> -> memref<1x128x256xf32, #tpu.memory_space<vmem>>
    %dma_wait3A_20 = tpu.memref_squeeze %dma_wait3A_19 : memref<1x128x256xf32, #tpu.memory_space<vmem>> -> memref<128x256xf32, #tpu.memory_space<vmem>>
    %dma_wait3A_21 = arith.constant 0 : i32
    %dma_wait3A_22 = tpu.memref_slice %arg5[%dma_wait3A, %dma_wait3A_21] : memref<4x128xi32, #tpu.memory_space<vmem>> -> memref<1x128xi32, #tpu.memory_space<vmem>>
    %dma_wait3A_23 = tpu.memref_squeeze %dma_wait3A_22 : memref<1x128xi32, #tpu.memory_space<vmem>> -> memref<128xi32, #tpu.memory_space<vmem>>
    %dma_wait3A_24 = arith.constant 0 : i32
    %dma_wait3A_25 = arith.constant 0 : i32
    %dma_wait3A_26 = tpu.memref_slice %arg2[%dma_wait3A_24, %dma_wait3A_25] : memref<8192x256xf32, #tpu.memory_space<hbm>> -> memref<8192x256xf32, #tpu.memory_space<hbm>>
    tpu.wait_indirect_dma semaphore(%arg7 : memref<!tpu.dma_semaphore, #tpu.memory_space<semaphore_mem>>) src(%dma_wait3A_26 : memref<8192x256xf32, #tpu.memory_space<hbm>>) dst(%dma_wait3A_20 : memref<128x256xf32, #tpu.memory_space<vmem>>)
    %dma_start3A_27 = arith.constant 1 : i32
    %dma_start3A_28 = arith.constant 1 : i32
    %dma_start3A_29 = arith.constant 0 : i32
    %dma_start3A_30 = arith.constant 0 : i32
    %dma_start3A_31 = tpu.memref_slice %arg6[%dma_start3A_28, %dma_start3A_29, %dma_start3A_30] : memref<2x128x256xf32, #tpu.memory_space<vmem>> -> memref<1x128x256xf32, #tpu.memory_space<vmem>>
    %dma_start3A_32 = tpu.memref_squeeze %dma_start3A_31 : memref<1x128x256xf32, #tpu.memory_space<vmem>> -> memref<128x256xf32, #tpu.memory_space<vmem>>
    %dma_start3A_33 = arith.constant 0 : i32
    %dma_start3A_34 = tpu.memref_slice %arg5[%dma_start3A_27, %dma_start3A_33] : memref<4x128xi32, #tpu.memory_space<vmem>> -> memref<1x128xi32, #tpu.memory_space<vmem>>
    %dma_start3A_35 = tpu.memref_squeeze %dma_start3A_34 : memref<1x128xi32, #tpu.memory_space<vmem>> -> memref<128xi32, #tpu.memory_space<vmem>>
    %dma_start3A_36 = arith.constant 0 : i32
    %dma_start3A_37 = arith.constant 0 : i32
    %dma_start3A_38 = tpu.memref_slice %arg2[%dma_start3A_36, %dma_start3A_37] : memref<8192x256xf32, #tpu.memory_space<hbm>> -> memref<8192x256xf32, #tpu.memory_space<hbm>>
    tpu.enqueue_indirect_dma source(%dma_start3A_38 : memref<8192x256xf32, #tpu.memory_space<hbm>>) target(%dma_start3A_32 : memref<128x256xf32, #tpu.memory_space<vmem>>) offsets(%dma_start3A_35 : memref<128xi32, #tpu.memory_space<vmem>>) semaphore(%arg8 : memref<!tpu.dma_semaphore, #tpu.memory_space<semaphore_mem>>)
    %add3A_39 = arith.constant 0 : i32
    %add3A_40 = arith.addi %mul3A_2, %add3A_39 : i32
    %dma_start3A_41 = arith.constant 0 : i32
    %dma_start3A_42 = arith.constant 0 : i32
    %dma_start3A_43 = arith.constant 0 : i32
    %dma_start3A_44 = tpu.memref_slice %arg6[%dma_start3A_41, %dma_start3A_42, %dma_start3A_43] : memref<2x128x256xf32, #tpu.memory_space<vmem>> -> memref<1x128x256xf32, #tpu.memory_space<vmem>>
    %dma_start3A_45 = tpu.memref_squeeze %dma_start3A_44 : memref<1x128x256xf32, #tpu.memory_space<vmem>> -> memref<128x256xf32, #tpu.memory_space<vmem>>
    %dma_start3A_46 = arith.constant 0 : i32
    %dma_start3A_47 = tpu.memref_slice %arg4[%add3A_40, %dma_start3A_46] : memref<16384x256xf32, #tpu.memory_space<hbm>> -> memref<128x256xf32, #tpu.memory_space<hbm>>
    %dma_start3A_48 = arith.constant 0 : i32
    %dma_start3A_49 = tpu.memref_slice %arg4[%add3A_40, %dma_start3A_48] : memref<16384x256xf32, #tpu.memory_space<hbm>> -> memref<128x256xf32, #tpu.memory_space<hbm>>
    %dma_start3A_50 = arith.constant 0 : i32
    %dma_start3A_51 = arith.constant 0 : i32
    %dma_start3A_52 = tpu.memref_slice %arg6[%dma_start3A_41, %dma_start3A_50, %dma_start3A_51] : memref<2x128x256xf32, #tpu.memory_space<vmem>> -> memref<1x128x256xf32, #tpu.memory_space<vmem>>
    %dma_start3A_53 = tpu.memref_squeeze %dma_start3A_52 : memref<1x128x256xf32, #tpu.memory_space<vmem>> -> memref<128x256xf32, #tpu.memory_space<vmem>>
    tpu.enqueue_dma source(%dma_start3A_53 : memref<128x256xf32, #tpu.memory_space<vmem>>) target(%dma_start3A_49 : memref<128x256xf32, #tpu.memory_space<hbm>>) target_semaphore(%arg9 : memref<!tpu.dma_semaphore, #tpu.memory_space<semaphore_mem>>)
    %dma_wait3A_54 = arith.constant 1 : i32
    %dma_wait3A_55 = arith.constant 1 : i32
    %dma_wait3A_56 = arith.constant 0 : i32
    %dma_wait3A_57 = arith.constant 0 : i32
    %dma_wait3A_58 = tpu.memref_slice %arg6[%dma_wait3A_55, %dma_wait3A_56, %dma_wait3A_57] : memref<2x128x256xf32, #tpu.memory_space<vmem>> -> memref<1x128x256xf32, #tpu.memory_space<vmem>>
    %dma_wait3A_59 = tpu.memref_squeeze %dma_wait3A_58 : memref<1x128x256xf32, #tpu.memory_space<vmem>> -> memref<128x256xf32, #tpu.memory_space<vmem>>
    %dma_wait3A_60 = arith.constant 0 : i32
    %dma_wait3A_61 = tpu.memref_slice %arg5[%dma_wait3A_54, %dma_wait3A_60] : memref<4x128xi32, #tpu.memory_space<vmem>> -> memref<1x128xi32, #tpu.memory_space<vmem>>
    %dma_wait3A_62 = tpu.memref_squeeze %dma_wait3A_61 : memref<1x128xi32, #tpu.memory_space<vmem>> -> memref<128xi32, #tpu.memory_space<vmem>>
    %dma_wait3A_63 = arith.constant 0 : i32
    %dma_wait3A_64 = arith.constant 0 : i32
    %dma_wait3A_65 = tpu.memref_slice %arg2[%dma_wait3A_63, %dma_wait3A_64] : memref<8192x256xf32, #tpu.memory_space<hbm>> -> memref<8192x256xf32, #tpu.memory_space<hbm>>
    tpu.wait_indirect_dma semaphore(%arg8 : memref<!tpu.dma_semaphore, #tpu.memory_space<semaphore_mem>>) src(%dma_wait3A_65 : memref<8192x256xf32, #tpu.memory_space<hbm>>) dst(%dma_wait3A_59 : memref<128x256xf32, #tpu.memory_space<vmem>>)
    %dma_wait3A_66 = arith.constant 0 : i32
    %dma_wait3A_67 = arith.constant 0 : i32
    %dma_wait3A_68 = arith.constant 0 : i32
    %dma_wait3A_69 = tpu.memref_slice %arg6[%dma_wait3A_66, %dma_wait3A_67, %dma_wait3A_68] : memref<2x128x256xf32, #tpu.memory_space<vmem>> -> memref<1x128x256xf32, #tpu.memory_space<vmem>>
    %dma_wait3A_70 = tpu.memref_squeeze %dma_wait3A_69 : memref<1x128x256xf32, #tpu.memory_space<vmem>> -> memref<128x256xf32, #tpu.memory_space<vmem>>
    %dma_wait3A_71 = arith.constant 0 : i32
    %dma_wait3A_72 = tpu.memref_slice %arg4[%add3A_40, %dma_wait3A_71] : memref<16384x256xf32, #tpu.memory_space<hbm>> -> memref<128x256xf32, #tpu.memory_space<hbm>>
    %dma_wait3A_73 = arith.constant 0 : i32
    %dma_wait3A_74 = tpu.memref_slice %arg4[%add3A_40, %dma_wait3A_73] : memref<16384x256xf32, #tpu.memory_space<hbm>> -> memref<128x256xf32, #tpu.memory_space<hbm>>
    %dma_wait3A_75 = arith.constant 0 : i32
    %dma_wait3A_76 = arith.constant 0 : i32
    %dma_wait3A_77 = tpu.memref_slice %arg6[%dma_wait3A_66, %dma_wait3A_75, %dma_wait3A_76] : memref<2x128x256xf32, #tpu.memory_space<vmem>> -> memref<1x128x256xf32, #tpu.memory_space<vmem>>
    %dma_wait3A_78 = tpu.memref_squeeze %dma_wait3A_77 : memref<1x128x256xf32, #tpu.memory_space<vmem>> -> memref<128x256xf32, #tpu.memory_space<vmem>>
    tpu.wait_dma2 semaphore(%arg9 : memref<!tpu.dma_semaphore, #tpu.memory_space<semaphore_mem>>) src(%dma_wait3A_78 : memref<128x256xf32, #tpu.memory_space<vmem>>) dst(%dma_wait3A_74 : memref<128x256xf32, #tpu.memory_space<hbm>>)
    %dma_start3A_79 = arith.constant 2 : i32
    %dma_start3A_80 = arith.constant 0 : i32
    %dma_start3A_81 = arith.constant 0 : i32
    %dma_start3A_82 = arith.constant 0 : i32
    %dma_start3A_83 = tpu.memref_slice %arg6[%dma_start3A_80, %dma_start3A_81, %dma_start3A_82] : memref<2x128x256xf32, #tpu.memory_space<vmem>> -> memref<1x128x256xf32, #tpu.memory_space<vmem>>
    %dma_start3A_84 = tpu.memref_squeeze %dma_start3A_83 : memref<1x128x256xf32, #tpu.memory_space<vmem>> -> memref<128x256xf32, #tpu.memory_space<vmem>>
    %dma_start3A_85 = arith.constant 0 : i32
    %dma_start3A_86 = tpu.memref_slice %arg5[%dma_start3A_79, %dma_start3A_85] : memref<4x128xi32, #tpu.memory_space<vmem>> -> memref<1x128xi32, #tpu.memory_space<vmem>>
    %dma_start3A_87 = tpu.memref_squeeze %dma_start3A_86 : memref<1x128xi32, #tpu.memory_space<vmem>> -> memref<128xi32, #tpu.memory_space<vmem>>
    %dma_start3A_88 = arith.constant 0 : i32
    %dma_start3A_89 = arith.constant 0 : i32
    %dma_start3A_90 = tpu.memref_slice %arg2[%dma_start3A_88, %dma_start3A_89] : memref<8192x256xf32, #tpu.memory_space<hbm>> -> memref<8192x256xf32, #tpu.memory_space<hbm>>
    tpu.enqueue_indirect_dma source(%dma_start3A_90 : memref<8192x256xf32, #tpu.memory_space<hbm>>) target(%dma_start3A_84 : memref<128x256xf32, #tpu.memory_space<vmem>>) offsets(%dma_start3A_87 : memref<128xi32, #tpu.memory_space<vmem>>) semaphore(%arg7 : memref<!tpu.dma_semaphore, #tpu.memory_space<semaphore_mem>>)
    %add3A_91 = arith.constant 128 : i32
    %add3A_92 = arith.addi %mul3A_2, %add3A_91 : i32
    %dma_start3A_93 = arith.constant 1 : i32
    %dma_start3A_94 = arith.constant 0 : i32
    %dma_start3A_95 = arith.constant 0 : i32
    %dma_start3A_96 = tpu.memref_slice %arg6[%dma_start3A_93, %dma_start3A_94, %dma_start3A_95] : memref<2x128x256xf32, #tpu.memory_space<vmem>> -> memref<1x128x256xf32, #tpu.memory_space<vmem>>
    %dma_start3A_97 = tpu.memref_squeeze %dma_start3A_96 : memref<1x128x256xf32, #tpu.memory_space<vmem>> -> memref<128x256xf32, #tpu.memory_space<vmem>>
    %dma_start3A_98 = arith.constant 0 : i32
    %dma_start3A_99 = tpu.memref_slice %arg4[%add3A_92, %dma_start3A_98] : memref<16384x256xf32, #tpu.memory_space<hbm>> -> memref<128x256xf32, #tpu.memory_space<hbm>>
    %dma_start3A_100 = arith.constant 0 : i32
    %dma_start3A_101 = tpu.memref_slice %arg4[%add3A_92, %dma_start3A_100] : memref<16384x256xf32, #tpu.memory_space<hbm>> -> memref<128x256xf32, #tpu.memory_space<hbm>>
    %dma_start3A_102 = arith.constant 0 : i32
    %dma_start3A_103 = arith.constant 0 : i32
    %dma_start3A_104 = tpu.memref_slice %arg6[%dma_start3A_93, %dma_start3A_102, %dma_start3A_103] : memref<2x128x256xf32, #tpu.memory_space<vmem>> -> memref<1x128x256xf32, #tpu.memory_space<vmem>>
    %dma_start3A_105 = tpu.memref_squeeze %dma_start3A_104 : memref<1x128x256xf32, #tpu.memory_space<vmem>> -> memref<128x256xf32, #tpu.memory_space<vmem>>
    tpu.enqueue_dma source(%dma_start3A_105 : memref<128x256xf32, #tpu.memory_space<vmem>>) target(%dma_start3A_101 : memref<128x256xf32, #tpu.memory_space<hbm>>) target_semaphore(%arg10 : memref<!tpu.dma_semaphore, #tpu.memory_space<semaphore_mem>>)
    %dma_wait3A_106 = arith.constant 2 : i32
    %dma_wait3A_107 = arith.constant 0 : i32
    %dma_wait3A_108 = arith.constant 0 : i32
    %dma_wait3A_109 = arith.constant 0 : i32
    %dma_wait3A_110 = tpu.memref_slice %arg6[%dma_wait3A_107, %dma_wait3A_108, %dma_wait3A_109] : memref<2x128x256xf32, #tpu.memory_space<vmem>> -> memref<1x128x256xf32, #tpu.memory_space<vmem>>
    %dma_wait3A_111 = tpu.memref_squeeze %dma_wait3A_110 : memref<1x128x256xf32, #tpu.memory_space<vmem>> -> memref<128x256xf32, #tpu.memory_space<vmem>>
    %dma_wait3A_112 = arith.constant 0 : i32
    %dma_wait3A_113 = tpu.memref_slice %arg5[%dma_wait3A_106, %dma_wait3A_112] : memref<4x128xi32, #tpu.memory_space<vmem>> -> memref<1x128xi32, #tpu.memory_space<vmem>>
    %dma_wait3A_114 = tpu.memref_squeeze %dma_wait3A_113 : memref<1x128xi32, #tpu.memory_space<vmem>> -> memref<128xi32, #tpu.memory_space<vmem>>
    %dma_wait3A_115 = arith.constant 0 : i32
    %dma_wait3A_116 = arith.constant 0 : i32
    %dma_wait3A_117 = tpu.memref_slice %arg2[%dma_wait3A_115, %dma_wait3A_116] : memref<8192x256xf32, #tpu.memory_space<hbm>> -> memref<8192x256xf32, #tpu.memory_space<hbm>>
    tpu.wait_indirect_dma semaphore(%arg7 : memref<!tpu.dma_semaphore, #tpu.memory_space<semaphore_mem>>) src(%dma_wait3A_117 : memref<8192x256xf32, #tpu.memory_space<hbm>>) dst(%dma_wait3A_111 : memref<128x256xf32, #tpu.memory_space<vmem>>)
    %dma_wait3A_118 = arith.constant 1 : i32
    %dma_wait3A_119 = arith.constant 0 : i32
    %dma_wait3A_120 = arith.constant 0 : i32
    %dma_wait3A_121 = tpu.memref_slice %arg6[%dma_wait3A_118, %dma_wait3A_119, %dma_wait3A_120] : memref<2x128x256xf32, #tpu.memory_space<vmem>> -> memref<1x128x256xf32, #tpu.memory_space<vmem>>
    %dma_wait3A_122 = tpu.memref_squeeze %dma_wait3A_121 : memref<1x128x256xf32, #tpu.memory_space<vmem>> -> memref<128x256xf32, #tpu.memory_space<vmem>>
    %dma_wait3A_123 = arith.constant 0 : i32
    %dma_wait3A_124 = tpu.memref_slice %arg4[%add3A_92, %dma_wait3A_123] : memref<16384x256xf32, #tpu.memory_space<hbm>> -> memref<128x256xf32, #tpu.memory_space<hbm>>
    %dma_wait3A_125 = arith.constant 0 : i32
    %dma_wait3A_126 = tpu.memref_slice %arg4[%add3A_92, %dma_wait3A_125] : memref<16384x256xf32, #tpu.memory_space<hbm>> -> memref<128x256xf32, #tpu.memory_space<hbm>>
    %dma_wait3A_127 = arith.constant 0 : i32
    %dma_wait3A_128 = arith.constant 0 : i32
    %dma_wait3A_129 = tpu.memref_slice %arg6[%dma_wait3A_118, %dma_wait3A_127, %dma_wait3A_128] : memref<2x128x256xf32, #tpu.memory_space<vmem>> -> memref<1x128x256xf32, #tpu.memory_space<vmem>>
    %dma_wait3A_130 = tpu.memref_squeeze %dma_wait3A_129 : memref<1x128x256xf32, #tpu.memory_space<vmem>> -> memref<128x256xf32, #tpu.memory_space<vmem>>
    tpu.wait_dma2 semaphore(%arg10 : memref<!tpu.dma_semaphore, #tpu.memory_space<semaphore_mem>>) src(%dma_wait3A_130 : memref<128x256xf32, #tpu.memory_space<vmem>>) dst(%dma_wait3A_126 : memref<128x256xf32, #tpu.memory_space<hbm>>)
    %dma_start3A_131 = arith.constant 3 : i32
    %dma_start3A_132 = arith.constant 1 : i32
    %dma_start3A_133 = arith.constant 0 : i32
    %dma_start3A_134 = arith.constant 0 : i32
    %dma_start3A_135 = tpu.memref_slice %arg6[%dma_start3A_132, %dma_start3A_133, %dma_start3A_134] : memref<2x128x256xf32, #tpu.memory_space<vmem>> -> memref<1x128x256xf32, #tpu.memory_space<vmem>>
    %dma_start3A_136 = tpu.memref_squeeze %dma_start3A_135 : memref<1x128x256xf32, #tpu.memory_space<vmem>> -> memref<128x256xf32, #tpu.memory_space<vmem>>
    %dma_start3A_137 = arith.constant 0 : i32
    %dma_start3A_138 = tpu.memref_slice %arg5[%dma_start3A_131, %dma_start3A_137] : memref<4x128xi32, #tpu.memory_space<vmem>> -> memref<1x128xi32, #tpu.memory_space<vmem>>
    %dma_start3A_139 = tpu.memref_squeeze %dma_start3A_138 : memref<1x128xi32, #tpu.memory_space<vmem>> -> memref<128xi32, #tpu.memory_space<vmem>>
    %dma_start3A_140 = arith.constant 0 : i32
    %dma_start3A_141 = arith.constant 0 : i32
    %dma_start3A_142 = tpu.memref_slice %arg2[%dma_start3A_140, %dma_start3A_141] : memref<8192x256xf32, #tpu.memory_space<hbm>> -> memref<8192x256xf32, #tpu.memory_space<hbm>>
    tpu.enqueue_indirect_dma source(%dma_start3A_142 : memref<8192x256xf32, #tpu.memory_space<hbm>>) target(%dma_start3A_136 : memref<128x256xf32, #tpu.memory_space<vmem>>) offsets(%dma_start3A_139 : memref<128xi32, #tpu.memory_space<vmem>>) semaphore(%arg8 : memref<!tpu.dma_semaphore, #tpu.memory_space<semaphore_mem>>)
    %add3A_143 = arith.constant 256 : i32
    %add3A_144 = arith.addi %mul3A_2, %add3A_143 : i32
    %dma_start3A_145 = arith.constant 0 : i32
    %dma_start3A_146 = arith.constant 0 : i32
    %dma_start3A_147 = arith.constant 0 : i32
    %dma_start3A_148 = tpu.memref_slice %arg6[%dma_start3A_145, %dma_start3A_146, %dma_start3A_147] : memref<2x128x256xf32, #tpu.memory_space<vmem>> -> memref<1x128x256xf32, #tpu.memory_space<vmem>>
    %dma_start3A_149 = tpu.memref_squeeze %dma_start3A_148 : memref<1x128x256xf32, #tpu.memory_space<vmem>> -> memref<128x256xf32, #tpu.memory_space<vmem>>
    %dma_start3A_150 = arith.constant 0 : i32
    %dma_start3A_151 = tpu.memref_slice %arg4[%add3A_144, %dma_start3A_150] : memref<16384x256xf32, #tpu.memory_space<hbm>> -> memref<128x256xf32, #tpu.memory_space<hbm>>
    %dma_start3A_152 = arith.constant 0 : i32
    %dma_start3A_153 = tpu.memref_slice %arg4[%add3A_144, %dma_start3A_152] : memref<16384x256xf32, #tpu.memory_space<hbm>> -> memref<128x256xf32, #tpu.memory_space<hbm>>
    %dma_start3A_154 = arith.constant 0 : i32
    %dma_start3A_155 = arith.constant 0 : i32
    %dma_start3A_156 = tpu.memref_slice %arg6[%dma_start3A_145, %dma_start3A_154, %dma_start3A_155] : memref<2x128x256xf32, #tpu.memory_space<vmem>> -> memref<1x128x256xf32, #tpu.memory_space<vmem>>
    %dma_start3A_157 = tpu.memref_squeeze %dma_start3A_156 : memref<1x128x256xf32, #tpu.memory_space<vmem>> -> memref<128x256xf32, #tpu.memory_space<vmem>>
    tpu.enqueue_dma source(%dma_start3A_157 : memref<128x256xf32, #tpu.memory_space<vmem>>) target(%dma_start3A_153 : memref<128x256xf32, #tpu.memory_space<hbm>>) target_semaphore(%arg9 : memref<!tpu.dma_semaphore, #tpu.memory_space<semaphore_mem>>)
    %dma_wait3A_158 = arith.constant 3 : i32
    %dma_wait3A_159 = arith.constant 1 : i32
    %dma_wait3A_160 = arith.constant 0 : i32
    %dma_wait3A_161 = arith.constant 0 : i32
    %dma_wait3A_162 = tpu.memref_slice %arg6[%dma_wait3A_159, %dma_wait3A_160, %dma_wait3A_161] : memref<2x128x256xf32, #tpu.memory_space<vmem>> -> memref<1x128x256xf32, #tpu.memory_space<vmem>>
    %dma_wait3A_163 = tpu.memref_squeeze %dma_wait3A_162 : memref<1x128x256xf32, #tpu.memory_space<vmem>> -> memref<128x256xf32, #tpu.memory_space<vmem>>
    %dma_wait3A_164 = arith.constant 0 : i32
    %dma_wait3A_165 = tpu.memref_slice %arg5[%dma_wait3A_158, %dma_wait3A_164] : memref<4x128xi32, #tpu.memory_space<vmem>> -> memref<1x128xi32, #tpu.memory_space<vmem>>
    %dma_wait3A_166 = tpu.memref_squeeze %dma_wait3A_165 : memref<1x128xi32, #tpu.memory_space<vmem>> -> memref<128xi32, #tpu.memory_space<vmem>>
    %dma_wait3A_167 = arith.constant 0 : i32
    %dma_wait3A_168 = arith.constant 0 : i32
    %dma_wait3A_169 = tpu.memref_slice %arg2[%dma_wait3A_167, %dma_wait3A_168] : memref<8192x256xf32, #tpu.memory_space<hbm>> -> memref<8192x256xf32, #tpu.memory_space<hbm>>
    tpu.wait_indirect_dma semaphore(%arg8 : memref<!tpu.dma_semaphore, #tpu.memory_space<semaphore_mem>>) src(%dma_wait3A_169 : memref<8192x256xf32, #tpu.memory_space<hbm>>) dst(%dma_wait3A_163 : memref<128x256xf32, #tpu.memory_space<vmem>>)
    %add3A_170 = arith.constant 384 : i32
    %add3A_171 = arith.addi %mul3A_2, %add3A_170 : i32
    %dma_start3A_172 = arith.constant 1 : i32
    %dma_start3A_173 = arith.constant 0 : i32
    %dma_start3A_174 = arith.constant 0 : i32
    %dma_start3A_175 = tpu.memref_slice %arg6[%dma_start3A_172, %dma_start3A_173, %dma_start3A_174] : memref<2x128x256xf32, #tpu.memory_space<vmem>> -> memref<1x128x256xf32, #tpu.memory_space<vmem>>
    %dma_start3A_176 = tpu.memref_squeeze %dma_start3A_175 : memref<1x128x256xf32, #tpu.memory_space<vmem>> -> memref<128x256xf32, #tpu.memory_space<vmem>>
    %dma_start3A_177 = arith.constant 0 : i32
    %dma_start3A_178 = tpu.memref_slice %arg4[%add3A_171, %dma_start3A_177] : memref<16384x256xf32, #tpu.memory_space<hbm>> -> memref<128x256xf32, #tpu.memory_space<hbm>>
    %dma_start3A_179 = arith.constant 0 : i32
    %dma_start3A_180 = tpu.memref_slice %arg4[%add3A_171, %dma_start3A_179] : memref<16384x256xf32, #tpu.memory_space<hbm>> -> memref<128x256xf32, #tpu.memory_space<hbm>>
    %dma_start3A_181 = arith.constant 0 : i32
    %dma_start3A_182 = arith.constant 0 : i32
    %dma_start3A_183 = tpu.memref_slice %arg6[%dma_start3A_172, %dma_start3A_181, %dma_start3A_182] : memref<2x128x256xf32, #tpu.memory_space<vmem>> -> memref<1x128x256xf32, #tpu.memory_space<vmem>>
    %dma_start3A_184 = tpu.memref_squeeze %dma_start3A_183 : memref<1x128x256xf32, #tpu.memory_space<vmem>> -> memref<128x256xf32, #tpu.memory_space<vmem>>
    tpu.enqueue_dma source(%dma_start3A_184 : memref<128x256xf32, #tpu.memory_space<vmem>>) target(%dma_start3A_180 : memref<128x256xf32, #tpu.memory_space<hbm>>) target_semaphore(%arg10 : memref<!tpu.dma_semaphore, #tpu.memory_space<semaphore_mem>>)
    %dma_wait3A_185 = arith.constant 0 : i32
    %dma_wait3A_186 = arith.constant 0 : i32
    %dma_wait3A_187 = arith.constant 0 : i32
    %dma_wait3A_188 = tpu.memref_slice %arg6[%dma_wait3A_185, %dma_wait3A_186, %dma_wait3A_187] : memref<2x128x256xf32, #tpu.memory_space<vmem>> -> memref<1x128x256xf32, #tpu.memory_space<vmem>>
    %dma_wait3A_189 = tpu.memref_squeeze %dma_wait3A_188 : memref<1x128x256xf32, #tpu.memory_space<vmem>> -> memref<128x256xf32, #tpu.memory_space<vmem>>
    %dma_wait3A_190 = arith.constant 0 : i32
    %dma_wait3A_191 = tpu.memref_slice %arg4[%add3A_144, %dma_wait3A_190] : memref<16384x256xf32, #tpu.memory_space<hbm>> -> memref<128x256xf32, #tpu.memory_space<hbm>>
    %dma_wait3A_192 = arith.constant 0 : i32
    %dma_wait3A_193 = tpu.memref_slice %arg4[%add3A_144, %dma_wait3A_192] : memref<16384x256xf32, #tpu.memory_space<hbm>> -> memref<128x256xf32, #tpu.memory_space<hbm>>
    %dma_wait3A_194 = arith.constant 0 : i32
    %dma_wait3A_195 = arith.constant 0 : i32
    %dma_wait3A_196 = tpu.memref_slice %arg6[%dma_wait3A_185, %dma_wait3A_194, %dma_wait3A_195] : memref<2x128x256xf32, #tpu.memory_space<vmem>> -> memref<1x128x256xf32, #tpu.memory_space<vmem>>
    %dma_wait3A_197 = tpu.memref_squeeze %dma_wait3A_196 : memref<1x128x256xf32, #tpu.memory_space<vmem>> -> memref<128x256xf32, #tpu.memory_space<vmem>>
    tpu.wait_dma2 semaphore(%arg9 : memref<!tpu.dma_semaphore, #tpu.memory_space<semaphore_mem>>) src(%dma_wait3A_197 : memref<128x256xf32, #tpu.memory_space<vmem>>) dst(%dma_wait3A_193 : memref<128x256xf32, #tpu.memory_space<hbm>>)
    %dma_wait3A_198 = arith.constant 1 : i32
    %dma_wait3A_199 = arith.constant 0 : i32
    %dma_wait3A_200 = arith.constant 0 : i32
    %dma_wait3A_201 = tpu.memref_slice %arg6[%dma_wait3A_198, %dma_wait3A_199, %dma_wait3A_200] : memref<2x128x256xf32, #tpu.memory_space<vmem>> -> memref<1x128x256xf32, #tpu.memory_space<vmem>>
    %dma_wait3A_202 = tpu.memref_squeeze %dma_wait3A_201 : memref<1x128x256xf32, #tpu.memory_space<vmem>> -> memref<128x256xf32, #tpu.memory_space<vmem>>
    %dma_wait3A_203 = arith.constant 0 : i32
    %dma_wait3A_204 = tpu.memref_slice %arg4[%add3A_171, %dma_wait3A_203] : memref<16384x256xf32, #tpu.memory_space<hbm>> -> memref<128x256xf32, #tpu.memory_space<hbm>>
    %dma_wait3A_205 = arith.constant 0 : i32
    %dma_wait3A_206 = tpu.memref_slice %arg4[%add3A_171, %dma_wait3A_205] : memref<16384x256xf32, #tpu.memory_space<hbm>> -> memref<128x256xf32, #tpu.memory_space<hbm>>
    %dma_wait3A_207 = arith.constant 0 : i32
    %dma_wait3A_208 = arith.constant 0 : i32
    %dma_wait3A_209 = tpu.memref_slice %arg6[%dma_wait3A_198, %dma_wait3A_207, %dma_wait3A_208] : memref<2x128x256xf32, #tpu.memory_space<vmem>> -> memref<1x128x256xf32, #tpu.memory_space<vmem>>
    %dma_wait3A_210 = tpu.memref_squeeze %dma_wait3A_209 : memref<1x128x256xf32, #tpu.memory_space<vmem>> -> memref<128x256xf32, #tpu.memory_space<vmem>>
    tpu.wait_dma2 semaphore(%arg10 : memref<!tpu.dma_semaphore, #tpu.memory_space<semaphore_mem>>) src(%dma_wait3A_210 : memref<128x256xf32, #tpu.memory_space<vmem>>) dst(%dma_wait3A_206 : memref<128x256xf32, #tpu.memory_space<hbm>>)
    return
  }
}

module attributes {stable_mosaic.version = 14 : i64} {
  func.func @_dist_argmin_kernel(%arg0: i32, %arg1: i32, %arg2: memref<1x1x1024xf32, #tpu.memory_space<vmem>>, %arg3: memref<1024x1xf32, #tpu.memory_space<vmem>>, %arg4: memref<1x256x1024xf32, #tpu.memory_space<vmem>>, %arg5: memref<1024x256xf32, #tpu.memory_space<vmem>>, %arg6: memref<1x1x1024xi32, #tpu.memory_space<vmem>>, %arg7: memref<8x1024xf32, #tpu.memory_space<vmem>>, %arg8: memref<8x1024xi32, #tpu.memory_space<vmem>>) attributes {dimension_semantics = [#tpu.dimension_semantics<arbitrary>, #tpu.dimension_semantics<arbitrary>], iteration_bounds = array<i64: 16, 8>, scalar_prefetch = 0 : i64, scratch_operands = 2 : i64, tpu.core_type = #tpu.core_type<tc>, window_params = [{transform_indices = @transform_0, window_bounds = array<i64: 1, 1, 1024>}, {transform_indices = @transform_1, window_bounds = array<i64: 1024, 1>}, {transform_indices = @transform_2, window_bounds = array<i64: 1, 256, 1024>}, {transform_indices = @transform_3, window_bounds = array<i64: 1024, 256>}, {transform_indices = @transform_4, window_bounds = array<i64: 1, 1, 1024>}]} {
    %get3A = arith.constant 0 : index
    %get3A_0 = arith.constant 0 : index
    %get3A_1 = vector.load %arg5[%get3A, %get3A_0] : memref<1024x256xf32, #tpu.memory_space<vmem>>, vector<1024x256xf32>
    %get3A_2 = arith.constant 0 : index
    %get3A_3 = arith.constant 0 : index
    %get3A_4 = arith.constant 0 : index
    %get3A_5 = vector.load %arg4[%get3A_2, %get3A_3, %get3A_4] : memref<1x256x1024xf32, #tpu.memory_space<vmem>>, vector<1x256x1024xf32>
    %get3A_6 = vector.shape_cast %get3A_5 : vector<1x256x1024xf32> to vector<256x1024xf32>
    %dot_general3A = arith.constant dense<0.000000e+00> : vector<1024x1024xf32>
    %dot_general3A_7 = tpu.matmul %get3A_1, %get3A_6, %dot_general3A {dimension_numbers = #tpu.dot_dimension_numbers<[1], [0], [0], [1], [0, 0, 1, 1], [], []>, transpose_lhs_hint = false} : vector<1024x256xf32>, vector<256x1024xf32>, vector<1024x1024xf32> -> vector<1024x1024xf32>
    %get3A_8 = arith.constant 0 : index
    %get3A_9 = arith.constant 0 : index
    %get3A_10 = arith.constant 0 : index
    %get3A_11 = vector.load %arg2[%get3A_8, %get3A_9, %get3A_10] : memref<1x1x1024xf32, #tpu.memory_space<vmem>>, vector<1x1x1024xf32>
    %get3A_12 = vector.shape_cast %get3A_11 : vector<1x1x1024xf32> to vector<1x1024xf32>
    %get3A_13 = arith.constant 0 : index
    %get3A_14 = arith.constant 0 : index
    %get3A_15 = vector.load %arg3[%get3A_13, %get3A_14] : memref<1024x1xf32, #tpu.memory_space<vmem>>, vector<1024x1xf32>
    %add3A = vector.broadcast %get3A_12 : vector<1x1024xf32> to vector<1024x1024xf32>
    %add3A_16 = vector.broadcast %get3A_15 : vector<1024x1xf32> to vector<1024x1024xf32>
    %add3A_17 = arith.addf %add3A, %add3A_16 : vector<1024x1024xf32>
    %add3A_18 = arith.addf %add3A_17, %dot_general3A_7 : vector<1024x1024xf32>
    %max3A = arith.constant 0.000000e+00 : f32
    %max3A_19 = vector.broadcast %max3A : f32 to vector<1024x1024xf32>
    %max3A_20 = arith.maximumf %add3A_18, %max3A_19 : vector<1024x1024xf32>
    %iota3A = tpu.iota {dimensions = array<i32: 0>} : vector<1024x1024xi32>
    %eq3A = arith.constant 0 : i32
    %eq3A_21 = arith.cmpi eq, %arg1, %eq3A : i32
    %convert_element_type3A = arith.extui %eq3A_21 : i1 to i32
    %cond3A = arith.constant 0x7F800000 : f32
    %cond3A_22 = arith.constant 0 : i32
    %cond3A_23 = arith.cmpi ne, %convert_element_type3A, %cond3A_22 : i32
    scf.if %cond3A_23 {
      %broadcast_in_dim3A = vector.broadcast %cond3A : f32 to vector<8x1024xf32>
      %swap3A = arith.constant 0 : index
      %swap3A_69 = arith.constant 0 : index
      %swap3A_70 = vector.load %arg7[%swap3A, %swap3A_69] : memref<8x1024xf32, #tpu.memory_space<vmem>>, vector<8x1024xf32>
      tpu.vector_store %arg7[%swap3A, %swap3A_69], %broadcast_in_dim3A {strides = array<i32>} : memref<8x1024xf32, #tpu.memory_space<vmem>>, vector<8x1024xf32>,
      %broadcast_in_dim3A_71 = arith.constant 0 : i32
      %broadcast_in_dim3A_72 = vector.broadcast %broadcast_in_dim3A_71 : i32 to vector<8x1024xi32>
      %swap3A_73 = arith.constant 0 : index
      %swap3A_74 = arith.constant 0 : index
      %swap3A_75 = vector.load %arg8[%swap3A_73, %swap3A_74] : memref<8x1024xi32, #tpu.memory_space<vmem>>, vector<8x1024xi32>
      tpu.vector_store %arg8[%swap3A_73, %swap3A_74], %broadcast_in_dim3A_72 {strides = array<i32>} : memref<8x1024xi32, #tpu.memory_space<vmem>>, vector<8x1024xi32>,
    } else {
    }
    %eq3A_24 = arith.constant 0 : i32
    %eq3A_25 = arith.cmpi eq, %arg1, %eq3A_24 : i32
    %convert_element_type3A_26 = arith.extui %eq3A_25 : i1 to i32
    %cond3A_27 = arith.constant 0 : i32
    %cond3A_28 = arith.cmpi ne, %convert_element_type3A_26, %cond3A_27 : i32
    scf.if %cond3A_28 {
      %reduce_min3A = arith.constant dense<0x7F800000> : vector<1024xf32>
      %reduce_min3A_69 = vector.multi_reduction <minimumf>, %max3A_20, %reduce_min3A [0] : vector<1024x1024xf32> to vector<1024xf32>
      %broadcast_in_dim3A = vector.shape_cast %reduce_min3A_69 : vector<1024xf32> to vector<1x1024xf32>
      %eq3A_70 = vector.broadcast %broadcast_in_dim3A : vector<1x1024xf32> to vector<1024x1024xf32>
      %eq3A_71 = arith.cmpf oeq, %max3A_20, %eq3A_70 : vector<1024x1024xf32>
      %jit3A = arith.constant 1073741824 : i32
      %broadcast_in_dim3A_72 = vector.broadcast %jit3A : i32 to vector<1024x1024xi32>
      %select_n3A = arith.select %eq3A_71, %iota3A, %broadcast_in_dim3A_72 : vector<1024x1024xi1>, vector<1024x1024xi32>
      %reduce_min3A_73 = arith.constant dense<2147483647> : vector<1024xi32>
      %reduce_min3A_74 = vector.multi_reduction <minsi>, %select_n3A, %reduce_min3A_73 [0] : vector<1024x1024xi32> to vector<1024xi32>
      %broadcast_in_dim3A_75 = vector.shape_cast %reduce_min3A_74 : vector<1024xi32> to vector<1x1024xi32>
      %add3A_76 = arith.constant 0 : i32
      %add3A_77 = vector.broadcast %add3A_76 : i32 to vector<1x1024xi32>
      %add3A_78 = arith.addi %broadcast_in_dim3A_75, %add3A_77 : vector<1x1024xi32>
      %get3A_79 = arith.constant 0 : index
      %get3A_80 = arith.constant 0 : index
      %get3A_81 = vector.load %arg7[%get3A_79, %get3A_80] : memref<8x1024xf32, #tpu.memory_space<vmem>>, vector<1x1024xf32>
      %lt3A = arith.cmpf olt, %broadcast_in_dim3A, %get3A_81 : vector<1x1024xf32>
      %select_n3A_82 = arith.select %lt3A, %broadcast_in_dim3A, %get3A_81 : vector<1x1024xi1>, vector<1x1024xf32>
      %swap3A = arith.constant 0 : index
      %swap3A_83 = arith.constant 0 : index
      %swap3A_84 = vector.load %arg7[%swap3A, %swap3A_83] : memref<8x1024xf32, #tpu.memory_space<vmem>>, vector<1x1024xf32>
      tpu.vector_store %arg7[%swap3A, %swap3A_83], %select_n3A_82 {strides = array<i32>} : memref<8x1024xf32, #tpu.memory_space<vmem>>, vector<1x1024xf32>,
      %get3A_85 = arith.constant 0 : index
      %get3A_86 = arith.constant 0 : index
      %get3A_87 = vector.load %arg8[%get3A_85, %get3A_86] : memref<8x1024xi32, #tpu.memory_space<vmem>>, vector<1x1024xi32>
      %select_n3A_88 = arith.select %lt3A, %add3A_78, %get3A_87 : vector<1x1024xi1>, vector<1x1024xi32>
      %swap3A_89 = arith.constant 0 : index
      %swap3A_90 = arith.constant 0 : index
      %swap3A_91 = vector.load %arg8[%swap3A_89, %swap3A_90] : memref<8x1024xi32, #tpu.memory_space<vmem>>, vector<1x1024xi32>
      tpu.vector_store %arg8[%swap3A_89, %swap3A_90], %select_n3A_88 {strides = array<i32>} : memref<8x1024xi32, #tpu.memory_space<vmem>>, vector<1x1024xi32>,
    } else {
    }
    %eq3A_29 = arith.constant 1 : i32
    %eq3A_30 = arith.cmpi eq, %arg1, %eq3A_29 : i32
    %convert_element_type3A_31 = arith.extui %eq3A_30 : i1 to i32
    %cond3A_32 = arith.constant 0 : i32
    %cond3A_33 = arith.cmpi ne, %convert_element_type3A_31, %cond3A_32 : i32
    scf.if %cond3A_33 {
      %reduce_min3A = arith.constant dense<0x7F800000> : vector<1024xf32>
      %reduce_min3A_69 = vector.multi_reduction <minimumf>, %max3A_20, %reduce_min3A [0] : vector<1024x1024xf32> to vector<1024xf32>
      %broadcast_in_dim3A = vector.shape_cast %reduce_min3A_69 : vector<1024xf32> to vector<1x1024xf32>
      %eq3A_70 = vector.broadcast %broadcast_in_dim3A : vector<1x1024xf32> to vector<1024x1024xf32>
      %eq3A_71 = arith.cmpf oeq, %max3A_20, %eq3A_70 : vector<1024x1024xf32>
      %jit3A = arith.constant 1073741824 : i32
      %broadcast_in_dim3A_72 = vector.broadcast %jit3A : i32 to vector<1024x1024xi32>
      %select_n3A = arith.select %eq3A_71, %iota3A, %broadcast_in_dim3A_72 : vector<1024x1024xi1>, vector<1024x1024xi32>
      %reduce_min3A_73 = arith.constant dense<2147483647> : vector<1024xi32>
      %reduce_min3A_74 = vector.multi_reduction <minsi>, %select_n3A, %reduce_min3A_73 [0] : vector<1024x1024xi32> to vector<1024xi32>
      %broadcast_in_dim3A_75 = vector.shape_cast %reduce_min3A_74 : vector<1024xi32> to vector<1x1024xi32>
      %add3A_76 = arith.constant 1024 : i32
      %add3A_77 = vector.broadcast %add3A_76 : i32 to vector<1x1024xi32>
      %add3A_78 = arith.addi %broadcast_in_dim3A_75, %add3A_77 : vector<1x1024xi32>
      %get3A_79 = arith.constant 0 : index
      %get3A_80 = arith.constant 0 : index
      %get3A_81 = vector.load %arg7[%get3A_79, %get3A_80] : memref<8x1024xf32, #tpu.memory_space<vmem>>, vector<1x1024xf32>
      %lt3A = arith.cmpf olt, %broadcast_in_dim3A, %get3A_81 : vector<1x1024xf32>
      %select_n3A_82 = arith.select %lt3A, %broadcast_in_dim3A, %get3A_81 : vector<1x1024xi1>, vector<1x1024xf32>
      %swap3A = arith.constant 0 : index
      %swap3A_83 = arith.constant 0 : index
      %swap3A_84 = vector.load %arg7[%swap3A, %swap3A_83] : memref<8x1024xf32, #tpu.memory_space<vmem>>, vector<1x1024xf32>
      tpu.vector_store %arg7[%swap3A, %swap3A_83], %select_n3A_82 {strides = array<i32>} : memref<8x1024xf32, #tpu.memory_space<vmem>>, vector<1x1024xf32>,
      %get3A_85 = arith.constant 0 : index
      %get3A_86 = arith.constant 0 : index
      %get3A_87 = vector.load %arg8[%get3A_85, %get3A_86] : memref<8x1024xi32, #tpu.memory_space<vmem>>, vector<1x1024xi32>
      %select_n3A_88 = arith.select %lt3A, %add3A_78, %get3A_87 : vector<1x1024xi1>, vector<1x1024xi32>
      %swap3A_89 = arith.constant 0 : index
      %swap3A_90 = arith.constant 0 : index
      %swap3A_91 = vector.load %arg8[%swap3A_89, %swap3A_90] : memref<8x1024xi32, #tpu.memory_space<vmem>>, vector<1x1024xi32>
      tpu.vector_store %arg8[%swap3A_89, %swap3A_90], %select_n3A_88 {strides = array<i32>} : memref<8x1024xi32, #tpu.memory_space<vmem>>, vector<1x1024xi32>,
    } else {
    }
    %eq3A_34 = arith.constant 2 : i32
    %eq3A_35 = arith.cmpi eq, %arg1, %eq3A_34 : i32
    %convert_element_type3A_36 = arith.extui %eq3A_35 : i1 to i32
    %cond3A_37 = arith.constant 0 : i32
    %cond3A_38 = arith.cmpi ne, %convert_element_type3A_36, %cond3A_37 : i32
    scf.if %cond3A_38 {
      %slice3A = vector.extract_strided_slice %max3A_20 {offsets = [0, 0], sizes = [688, 1024], strides = [1, 1]} : vector<1024x1024xf32> to vector<688x1024xf32>
      %reduce_min3A = arith.constant dense<0x7F800000> : vector<1024xf32>
      %reduce_min3A_69 = vector.multi_reduction <minimumf>, %slice3A, %reduce_min3A [0] : vector<688x1024xf32> to vector<1024xf32>
      %broadcast_in_dim3A = vector.shape_cast %reduce_min3A_69 : vector<1024xf32> to vector<1x1024xf32>
      %eq3A_70 = vector.broadcast %broadcast_in_dim3A : vector<1x1024xf32> to vector<688x1024xf32>
      %eq3A_71 = arith.cmpf oeq, %slice3A, %eq3A_70 : vector<688x1024xf32>
      %slice3A_72 = vector.extract_strided_slice %iota3A {offsets = [0, 0], sizes = [688, 1024], strides = [1, 1]} : vector<1024x1024xi32> to vector<688x1024xi32>
      %jit3A = arith.constant 1073741824 : i32
      %broadcast_in_dim3A_73 = vector.broadcast %jit3A : i32 to vector<688x1024xi32>
      %select_n3A = arith.select %eq3A_71, %slice3A_72, %broadcast_in_dim3A_73 : vector<688x1024xi1>, vector<688x1024xi32>
      %reduce_min3A_74 = arith.constant dense<2147483647> : vector<1024xi32>
      %reduce_min3A_75 = vector.multi_reduction <minsi>, %select_n3A, %reduce_min3A_74 [0] : vector<688x1024xi32> to vector<1024xi32>
      %broadcast_in_dim3A_76 = vector.shape_cast %reduce_min3A_75 : vector<1024xi32> to vector<1x1024xi32>
      %add3A_77 = arith.constant 2048 : i32
      %add3A_78 = vector.broadcast %add3A_77 : i32 to vector<1x1024xi32>
      %add3A_79 = arith.addi %broadcast_in_dim3A_76, %add3A_78 : vector<1x1024xi32>
      %get3A_80 = arith.constant 0 : index
      %get3A_81 = arith.constant 0 : index
      %get3A_82 = vector.load %arg7[%get3A_80, %get3A_81] : memref<8x1024xf32, #tpu.memory_space<vmem>>, vector<1x1024xf32>
      %lt3A = arith.cmpf olt, %broadcast_in_dim3A, %get3A_82 : vector<1x1024xf32>
      %select_n3A_83 = arith.select %lt3A, %broadcast_in_dim3A, %get3A_82 : vector<1x1024xi1>, vector<1x1024xf32>
      %swap3A = arith.constant 0 : index
      %swap3A_84 = arith.constant 0 : index
      %swap3A_85 = vector.load %arg7[%swap3A, %swap3A_84] : memref<8x1024xf32, #tpu.memory_space<vmem>>, vector<1x1024xf32>
      tpu.vector_store %arg7[%swap3A, %swap3A_84], %select_n3A_83 {strides = array<i32>} : memref<8x1024xf32, #tpu.memory_space<vmem>>, vector<1x1024xf32>,
      %get3A_86 = arith.constant 0 : index
      %get3A_87 = arith.constant 0 : index
      %get3A_88 = vector.load %arg8[%get3A_86, %get3A_87] : memref<8x1024xi32, #tpu.memory_space<vmem>>, vector<1x1024xi32>
      %select_n3A_89 = arith.select %lt3A, %add3A_79, %get3A_88 : vector<1x1024xi1>, vector<1x1024xi32>
      %swap3A_90 = arith.constant 0 : index
      %swap3A_91 = arith.constant 0 : index
      %swap3A_92 = vector.load %arg8[%swap3A_90, %swap3A_91] : memref<8x1024xi32, #tpu.memory_space<vmem>>, vector<1x1024xi32>
      tpu.vector_store %arg8[%swap3A_90, %swap3A_91], %select_n3A_89 {strides = array<i32>} : memref<8x1024xi32, #tpu.memory_space<vmem>>, vector<1x1024xi32>,
      %slice3A_93 = vector.extract_strided_slice %max3A_20 {offsets = [688, 0], sizes = [336, 1024], strides = [1, 1]} : vector<1024x1024xf32> to vector<336x1024xf32>
      %reduce_min3A_94 = arith.constant dense<0x7F800000> : vector<1024xf32>
      %reduce_min3A_95 = vector.multi_reduction <minimumf>, %slice3A_93, %reduce_min3A_94 [0] : vector<336x1024xf32> to vector<1024xf32>
      %broadcast_in_dim3A_96 = vector.shape_cast %reduce_min3A_95 : vector<1024xf32> to vector<1x1024xf32>
      %eq3A_97 = vector.broadcast %broadcast_in_dim3A_96 : vector<1x1024xf32> to vector<336x1024xf32>
      %eq3A_98 = arith.cmpf oeq, %slice3A_93, %eq3A_97 : vector<336x1024xf32>
      %slice3A_99 = vector.extract_strided_slice %iota3A {offsets = [688, 0], sizes = [336, 1024], strides = [1, 1]} : vector<1024x1024xi32> to vector<336x1024xi32>
      %jit3A_100 = arith.constant 1073741824 : i32
      %broadcast_in_dim3A_101 = vector.broadcast %jit3A_100 : i32 to vector<336x1024xi32>
      %select_n3A_102 = arith.select %eq3A_98, %slice3A_99, %broadcast_in_dim3A_101 : vector<336x1024xi1>, vector<336x1024xi32>
      %reduce_min3A_103 = arith.constant dense<2147483647> : vector<1024xi32>
      %reduce_min3A_104 = vector.multi_reduction <minsi>, %select_n3A_102, %reduce_min3A_103 [0] : vector<336x1024xi32> to vector<1024xi32>
      %broadcast_in_dim3A_105 = vector.shape_cast %reduce_min3A_104 : vector<1024xi32> to vector<1x1024xi32>
      %add3A_106 = arith.constant 2048 : i32
      %add3A_107 = vector.broadcast %add3A_106 : i32 to vector<1x1024xi32>
      %add3A_108 = arith.addi %broadcast_in_dim3A_105, %add3A_107 : vector<1x1024xi32>
      %get3A_109 = arith.constant 1 : index
      %get3A_110 = arith.constant 0 : index
      %get3A_111 = vector.load %arg7[%get3A_109, %get3A_110] : memref<8x1024xf32, #tpu.memory_space<vmem>>, vector<1x1024xf32>
      %lt3A_112 = arith.cmpf olt, %broadcast_in_dim3A_96, %get3A_111 : vector<1x1024xf32>
      %select_n3A_113 = arith.select %lt3A_112, %broadcast_in_dim3A_96, %get3A_111 : vector<1x1024xi1>, vector<1x1024xf32>
      %swap3A_114 = arith.constant 1 : index
      %swap3A_115 = arith.constant 0 : index
      %swap3A_116 = vector.load %arg7[%swap3A_114, %swap3A_115] : memref<8x1024xf32, #tpu.memory_space<vmem>>, vector<1x1024xf32>
      tpu.vector_store %arg7[%swap3A_114, %swap3A_115], %select_n3A_113 {strides = array<i32>} : memref<8x1024xf32, #tpu.memory_space<vmem>>, vector<1x1024xf32>,
      %get3A_117 = arith.constant 1 : index
      %get3A_118 = arith.constant 0 : index
      %get3A_119 = vector.load %arg8[%get3A_117, %get3A_118] : memref<8x1024xi32, #tpu.memory_space<vmem>>, vector<1x1024xi32>
      %select_n3A_120 = arith.select %lt3A_112, %add3A_108, %get3A_119 : vector<1x1024xi1>, vector<1x1024xi32>
      %swap3A_121 = arith.constant 1 : index
      %swap3A_122 = arith.constant 0 : index
      %swap3A_123 = vector.load %arg8[%swap3A_121, %swap3A_122] : memref<8x1024xi32, #tpu.memory_space<vmem>>, vector<1x1024xi32>
      tpu.vector_store %arg8[%swap3A_121, %swap3A_122], %select_n3A_120 {strides = array<i32>} : memref<8x1024xi32, #tpu.memory_space<vmem>>, vector<1x1024xi32>,
    } else {
    }
    %eq3A_39 = arith.constant 3 : i32
    %eq3A_40 = arith.cmpi eq, %arg1, %eq3A_39 : i32
    %convert_element_type3A_41 = arith.extui %eq3A_40 : i1 to i32
    %cond3A_42 = arith.constant 0 : i32
    %cond3A_43 = arith.cmpi ne, %convert_element_type3A_41, %cond3A_42 : i32
    scf.if %cond3A_43 {
      %reduce_min3A = arith.constant dense<0x7F800000> : vector<1024xf32>
      %reduce_min3A_69 = vector.multi_reduction <minimumf>, %max3A_20, %reduce_min3A [0] : vector<1024x1024xf32> to vector<1024xf32>
      %broadcast_in_dim3A = vector.shape_cast %reduce_min3A_69 : vector<1024xf32> to vector<1x1024xf32>
      %eq3A_70 = vector.broadcast %broadcast_in_dim3A : vector<1x1024xf32> to vector<1024x1024xf32>
      %eq3A_71 = arith.cmpf oeq, %max3A_20, %eq3A_70 : vector<1024x1024xf32>
      %jit3A = arith.constant 1073741824 : i32
      %broadcast_in_dim3A_72 = vector.broadcast %jit3A : i32 to vector<1024x1024xi32>
      %select_n3A = arith.select %eq3A_71, %iota3A, %broadcast_in_dim3A_72 : vector<1024x1024xi1>, vector<1024x1024xi32>
      %reduce_min3A_73 = arith.constant dense<2147483647> : vector<1024xi32>
      %reduce_min3A_74 = vector.multi_reduction <minsi>, %select_n3A, %reduce_min3A_73 [0] : vector<1024x1024xi32> to vector<1024xi32>
      %broadcast_in_dim3A_75 = vector.shape_cast %reduce_min3A_74 : vector<1024xi32> to vector<1x1024xi32>
      %add3A_76 = arith.constant 3072 : i32
      %add3A_77 = vector.broadcast %add3A_76 : i32 to vector<1x1024xi32>
      %add3A_78 = arith.addi %broadcast_in_dim3A_75, %add3A_77 : vector<1x1024xi32>
      %get3A_79 = arith.constant 1 : index
      %get3A_80 = arith.constant 0 : index
      %get3A_81 = vector.load %arg7[%get3A_79, %get3A_80] : memref<8x1024xf32, #tpu.memory_space<vmem>>, vector<1x1024xf32>
      %lt3A = arith.cmpf olt, %broadcast_in_dim3A, %get3A_81 : vector<1x1024xf32>
      %select_n3A_82 = arith.select %lt3A, %broadcast_in_dim3A, %get3A_81 : vector<1x1024xi1>, vector<1x1024xf32>
      %swap3A = arith.constant 1 : index
      %swap3A_83 = arith.constant 0 : index
      %swap3A_84 = vector.load %arg7[%swap3A, %swap3A_83] : memref<8x1024xf32, #tpu.memory_space<vmem>>, vector<1x1024xf32>
      tpu.vector_store %arg7[%swap3A, %swap3A_83], %select_n3A_82 {strides = array<i32>} : memref<8x1024xf32, #tpu.memory_space<vmem>>, vector<1x1024xf32>,
      %get3A_85 = arith.constant 1 : index
      %get3A_86 = arith.constant 0 : index
      %get3A_87 = vector.load %arg8[%get3A_85, %get3A_86] : memref<8x1024xi32, #tpu.memory_space<vmem>>, vector<1x1024xi32>
      %select_n3A_88 = arith.select %lt3A, %add3A_78, %get3A_87 : vector<1x1024xi1>, vector<1x1024xi32>
      %swap3A_89 = arith.constant 1 : index
      %swap3A_90 = arith.constant 0 : index
      %swap3A_91 = vector.load %arg8[%swap3A_89, %swap3A_90] : memref<8x1024xi32, #tpu.memory_space<vmem>>, vector<1x1024xi32>
      tpu.vector_store %arg8[%swap3A_89, %swap3A_90], %select_n3A_88 {strides = array<i32>} : memref<8x1024xi32, #tpu.memory_space<vmem>>, vector<1x1024xi32>,
    } else {
    }
    %eq3A_44 = arith.constant 4 : i32
    %eq3A_45 = arith.cmpi eq, %arg1, %eq3A_44 : i32
    %convert_element_type3A_46 = arith.extui %eq3A_45 : i1 to i32
    %cond3A_47 = arith.constant 0 : i32
    %cond3A_48 = arith.cmpi ne, %convert_element_type3A_46, %cond3A_47 : i32
    scf.if %cond3A_48 {
      %reduce_min3A = arith.constant dense<0x7F800000> : vector<1024xf32>
      %reduce_min3A_69 = vector.multi_reduction <minimumf>, %max3A_20, %reduce_min3A [0] : vector<1024x1024xf32> to vector<1024xf32>
      %broadcast_in_dim3A = vector.shape_cast %reduce_min3A_69 : vector<1024xf32> to vector<1x1024xf32>
      %eq3A_70 = vector.broadcast %broadcast_in_dim3A : vector<1x1024xf32> to vector<1024x1024xf32>
      %eq3A_71 = arith.cmpf oeq, %max3A_20, %eq3A_70 : vector<1024x1024xf32>
      %jit3A = arith.constant 1073741824 : i32
      %broadcast_in_dim3A_72 = vector.broadcast %jit3A : i32 to vector<1024x1024xi32>
      %select_n3A = arith.select %eq3A_71, %iota3A, %broadcast_in_dim3A_72 : vector<1024x1024xi1>, vector<1024x1024xi32>
      %reduce_min3A_73 = arith.constant dense<2147483647> : vector<1024xi32>
      %reduce_min3A_74 = vector.multi_reduction <minsi>, %select_n3A, %reduce_min3A_73 [0] : vector<1024x1024xi32> to vector<1024xi32>
      %broadcast_in_dim3A_75 = vector.shape_cast %reduce_min3A_74 : vector<1024xi32> to vector<1x1024xi32>
      %add3A_76 = arith.constant 4096 : i32
      %add3A_77 = vector.broadcast %add3A_76 : i32 to vector<1x1024xi32>
      %add3A_78 = arith.addi %broadcast_in_dim3A_75, %add3A_77 : vector<1x1024xi32>
      %get3A_79 = arith.constant 1 : index
      %get3A_80 = arith.constant 0 : index
      %get3A_81 = vector.load %arg7[%get3A_79, %get3A_80] : memref<8x1024xf32, #tpu.memory_space<vmem>>, vector<1x1024xf32>
      %lt3A = arith.cmpf olt, %broadcast_in_dim3A, %get3A_81 : vector<1x1024xf32>
      %select_n3A_82 = arith.select %lt3A, %broadcast_in_dim3A, %get3A_81 : vector<1x1024xi1>, vector<1x1024xf32>
      %swap3A = arith.constant 1 : index
      %swap3A_83 = arith.constant 0 : index
      %swap3A_84 = vector.load %arg7[%swap3A, %swap3A_83] : memref<8x1024xf32, #tpu.memory_space<vmem>>, vector<1x1024xf32>
      tpu.vector_store %arg7[%swap3A, %swap3A_83], %select_n3A_82 {strides = array<i32>} : memref<8x1024xf32, #tpu.memory_space<vmem>>, vector<1x1024xf32>,
      %get3A_85 = arith.constant 1 : index
      %get3A_86 = arith.constant 0 : index
      %get3A_87 = vector.load %arg8[%get3A_85, %get3A_86] : memref<8x1024xi32, #tpu.memory_space<vmem>>, vector<1x1024xi32>
      %select_n3A_88 = arith.select %lt3A, %add3A_78, %get3A_87 : vector<1x1024xi1>, vector<1x1024xi32>
      %swap3A_89 = arith.constant 1 : index
      %swap3A_90 = arith.constant 0 : index
      %swap3A_91 = vector.load %arg8[%swap3A_89, %swap3A_90] : memref<8x1024xi32, #tpu.memory_space<vmem>>, vector<1x1024xi32>
      tpu.vector_store %arg8[%swap3A_89, %swap3A_90], %select_n3A_88 {strides = array<i32>} : memref<8x1024xi32, #tpu.memory_space<vmem>>, vector<1x1024xi32>,
    } else {
    }
    %eq3A_49 = arith.constant 5 : i32
    %eq3A_50 = arith.cmpi eq, %arg1, %eq3A_49 : i32
    %convert_element_type3A_51 = arith.extui %eq3A_50 : i1 to i32
    %cond3A_52 = arith.constant 0 : i32
    %cond3A_53 = arith.cmpi ne, %convert_element_type3A_51, %cond3A_52 : i32
    scf.if %cond3A_53 {
      %slice3A = vector.extract_strided_slice %max3A_20 {offsets = [0, 0], sizes = [352, 1024], strides = [1, 1]} : vector<1024x1024xf32> to vector<352x1024xf32>
      %reduce_min3A = arith.constant dense<0x7F800000> : vector<1024xf32>
      %reduce_min3A_69 = vector.multi_reduction <minimumf>, %slice3A, %reduce_min3A [0] : vector<352x1024xf32> to vector<1024xf32>
      %broadcast_in_dim3A = vector.shape_cast %reduce_min3A_69 : vector<1024xf32> to vector<1x1024xf32>
      %eq3A_70 = vector.broadcast %broadcast_in_dim3A : vector<1x1024xf32> to vector<352x1024xf32>
      %eq3A_71 = arith.cmpf oeq, %slice3A, %eq3A_70 : vector<352x1024xf32>
      %slice3A_72 = vector.extract_strided_slice %iota3A {offsets = [0, 0], sizes = [352, 1024], strides = [1, 1]} : vector<1024x1024xi32> to vector<352x1024xi32>
      %jit3A = arith.constant 1073741824 : i32
      %broadcast_in_dim3A_73 = vector.broadcast %jit3A : i32 to vector<352x1024xi32>
      %select_n3A = arith.select %eq3A_71, %slice3A_72, %broadcast_in_dim3A_73 : vector<352x1024xi1>, vector<352x1024xi32>
      %reduce_min3A_74 = arith.constant dense<2147483647> : vector<1024xi32>
      %reduce_min3A_75 = vector.multi_reduction <minsi>, %select_n3A, %reduce_min3A_74 [0] : vector<352x1024xi32> to vector<1024xi32>
      %broadcast_in_dim3A_76 = vector.shape_cast %reduce_min3A_75 : vector<1024xi32> to vector<1x1024xi32>
      %add3A_77 = arith.constant 5120 : i32
      %add3A_78 = vector.broadcast %add3A_77 : i32 to vector<1x1024xi32>
      %add3A_79 = arith.addi %broadcast_in_dim3A_76, %add3A_78 : vector<1x1024xi32>
      %get3A_80 = arith.constant 1 : index
      %get3A_81 = arith.constant 0 : index
      %get3A_82 = vector.load %arg7[%get3A_80, %get3A_81] : memref<8x1024xf32, #tpu.memory_space<vmem>>, vector<1x1024xf32>
      %lt3A = arith.cmpf olt, %broadcast_in_dim3A, %get3A_82 : vector<1x1024xf32>
      %select_n3A_83 = arith.select %lt3A, %broadcast_in_dim3A, %get3A_82 : vector<1x1024xi1>, vector<1x1024xf32>
      %swap3A = arith.constant 1 : index
      %swap3A_84 = arith.constant 0 : index
      %swap3A_85 = vector.load %arg7[%swap3A, %swap3A_84] : memref<8x1024xf32, #tpu.memory_space<vmem>>, vector<1x1024xf32>
      tpu.vector_store %arg7[%swap3A, %swap3A_84], %select_n3A_83 {strides = array<i32>} : memref<8x1024xf32, #tpu.memory_space<vmem>>, vector<1x1024xf32>,
      %get3A_86 = arith.constant 1 : index
      %get3A_87 = arith.constant 0 : index
      %get3A_88 = vector.load %arg8[%get3A_86, %get3A_87] : memref<8x1024xi32, #tpu.memory_space<vmem>>, vector<1x1024xi32>
      %select_n3A_89 = arith.select %lt3A, %add3A_79, %get3A_88 : vector<1x1024xi1>, vector<1x1024xi32>
      %swap3A_90 = arith.constant 1 : index
      %swap3A_91 = arith.constant 0 : index
      %swap3A_92 = vector.load %arg8[%swap3A_90, %swap3A_91] : memref<8x1024xi32, #tpu.memory_space<vmem>>, vector<1x1024xi32>
      tpu.vector_store %arg8[%swap3A_90, %swap3A_91], %select_n3A_89 {strides = array<i32>} : memref<8x1024xi32, #tpu.memory_space<vmem>>, vector<1x1024xi32>,
      %slice3A_93 = vector.extract_strided_slice %max3A_20 {offsets = [352, 0], sizes = [672, 1024], strides = [1, 1]} : vector<1024x1024xf32> to vector<672x1024xf32>
      %reduce_min3A_94 = arith.constant dense<0x7F800000> : vector<1024xf32>
      %reduce_min3A_95 = vector.multi_reduction <minimumf>, %slice3A_93, %reduce_min3A_94 [0] : vector<672x1024xf32> to vector<1024xf32>
      %broadcast_in_dim3A_96 = vector.shape_cast %reduce_min3A_95 : vector<1024xf32> to vector<1x1024xf32>
      %eq3A_97 = vector.broadcast %broadcast_in_dim3A_96 : vector<1x1024xf32> to vector<672x1024xf32>
      %eq3A_98 = arith.cmpf oeq, %slice3A_93, %eq3A_97 : vector<672x1024xf32>
      %slice3A_99 = vector.extract_strided_slice %iota3A {offsets = [352, 0], sizes = [672, 1024], strides = [1, 1]} : vector<1024x1024xi32> to vector<672x1024xi32>
      %jit3A_100 = arith.constant 1073741824 : i32
      %broadcast_in_dim3A_101 = vector.broadcast %jit3A_100 : i32 to vector<672x1024xi32>
      %select_n3A_102 = arith.select %eq3A_98, %slice3A_99, %broadcast_in_dim3A_101 : vector<672x1024xi1>, vector<672x1024xi32>
      %reduce_min3A_103 = arith.constant dense<2147483647> : vector<1024xi32>
      %reduce_min3A_104 = vector.multi_reduction <minsi>, %select_n3A_102, %reduce_min3A_103 [0] : vector<672x1024xi32> to vector<1024xi32>
      %broadcast_in_dim3A_105 = vector.shape_cast %reduce_min3A_104 : vector<1024xi32> to vector<1x1024xi32>
      %add3A_106 = arith.constant 5120 : i32
      %add3A_107 = vector.broadcast %add3A_106 : i32 to vector<1x1024xi32>
      %add3A_108 = arith.addi %broadcast_in_dim3A_105, %add3A_107 : vector<1x1024xi32>
      %get3A_109 = arith.constant 2 : index
      %get3A_110 = arith.constant 0 : index
      %get3A_111 = vector.load %arg7[%get3A_109, %get3A_110] : memref<8x1024xf32, #tpu.memory_space<vmem>>, vector<1x1024xf32>
      %lt3A_112 = arith.cmpf olt, %broadcast_in_dim3A_96, %get3A_111 : vector<1x1024xf32>
      %select_n3A_113 = arith.select %lt3A_112, %broadcast_in_dim3A_96, %get3A_111 : vector<1x1024xi1>, vector<1x1024xf32>
      %swap3A_114 = arith.constant 2 : index
      %swap3A_115 = arith.constant 0 : index
      %swap3A_116 = vector.load %arg7[%swap3A_114, %swap3A_115] : memref<8x1024xf32, #tpu.memory_space<vmem>>, vector<1x1024xf32>
      tpu.vector_store %arg7[%swap3A_114, %swap3A_115], %select_n3A_113 {strides = array<i32>} : memref<8x1024xf32, #tpu.memory_space<vmem>>, vector<1x1024xf32>,
      %get3A_117 = arith.constant 2 : index
      %get3A_118 = arith.constant 0 : index
      %get3A_119 = vector.load %arg8[%get3A_117, %get3A_118] : memref<8x1024xi32, #tpu.memory_space<vmem>>, vector<1x1024xi32>
      %select_n3A_120 = arith.select %lt3A_112, %add3A_108, %get3A_119 : vector<1x1024xi1>, vector<1x1024xi32>
      %swap3A_121 = arith.constant 2 : index
      %swap3A_122 = arith.constant 0 : index
      %swap3A_123 = vector.load %arg8[%swap3A_121, %swap3A_122] : memref<8x1024xi32, #tpu.memory_space<vmem>>, vector<1x1024xi32>
      tpu.vector_store %arg8[%swap3A_121, %swap3A_122], %select_n3A_120 {strides = array<i32>} : memref<8x1024xi32, #tpu.memory_space<vmem>>, vector<1x1024xi32>,
    } else {
    }
    %eq3A_54 = arith.constant 6 : i32
    %eq3A_55 = arith.cmpi eq, %arg1, %eq3A_54 : i32
    %convert_element_type3A_56 = arith.extui %eq3A_55 : i1 to i32
    %cond3A_57 = arith.constant 0 : i32
    %cond3A_58 = arith.cmpi ne, %convert_element_type3A_56, %cond3A_57 : i32
    scf.if %cond3A_58 {
      %reduce_min3A = arith.constant dense<0x7F800000> : vector<1024xf32>
      %reduce_min3A_69 = vector.multi_reduction <minimumf>, %max3A_20, %reduce_min3A [0] : vector<1024x1024xf32> to vector<1024xf32>
      %broadcast_in_dim3A = vector.shape_cast %reduce_min3A_69 : vector<1024xf32> to vector<1x1024xf32>
      %eq3A_70 = vector.broadcast %broadcast_in_dim3A : vector<1x1024xf32> to vector<1024x1024xf32>
      %eq3A_71 = arith.cmpf oeq, %max3A_20, %eq3A_70 : vector<1024x1024xf32>
      %jit3A = arith.constant 1073741824 : i32
      %broadcast_in_dim3A_72 = vector.broadcast %jit3A : i32 to vector<1024x1024xi32>
      %select_n3A = arith.select %eq3A_71, %iota3A, %broadcast_in_dim3A_72 : vector<1024x1024xi1>, vector<1024x1024xi32>
      %reduce_min3A_73 = arith.constant dense<2147483647> : vector<1024xi32>
      %reduce_min3A_74 = vector.multi_reduction <minsi>, %select_n3A, %reduce_min3A_73 [0] : vector<1024x1024xi32> to vector<1024xi32>
      %broadcast_in_dim3A_75 = vector.shape_cast %reduce_min3A_74 : vector<1024xi32> to vector<1x1024xi32>
      %add3A_76 = arith.constant 6144 : i32
      %add3A_77 = vector.broadcast %add3A_76 : i32 to vector<1x1024xi32>
      %add3A_78 = arith.addi %broadcast_in_dim3A_75, %add3A_77 : vector<1x1024xi32>
      %get3A_79 = arith.constant 2 : index
      %get3A_80 = arith.constant 0 : index
      %get3A_81 = vector.load %arg7[%get3A_79, %get3A_80] : memref<8x1024xf32, #tpu.memory_space<vmem>>, vector<1x1024xf32>
      %lt3A = arith.cmpf olt, %broadcast_in_dim3A, %get3A_81 : vector<1x1024xf32>
      %select_n3A_82 = arith.select %lt3A, %broadcast_in_dim3A, %get3A_81 : vector<1x1024xi1>, vector<1x1024xf32>
      %swap3A = arith.constant 2 : index
      %swap3A_83 = arith.constant 0 : index
      %swap3A_84 = vector.load %arg7[%swap3A, %swap3A_83] : memref<8x1024xf32, #tpu.memory_space<vmem>>, vector<1x1024xf32>
      tpu.vector_store %arg7[%swap3A, %swap3A_83], %select_n3A_82 {strides = array<i32>} : memref<8x1024xf32, #tpu.memory_space<vmem>>, vector<1x1024xf32>,
      %get3A_85 = arith.constant 2 : index
      %get3A_86 = arith.constant 0 : index
      %get3A_87 = vector.load %arg8[%get3A_85, %get3A_86] : memref<8x1024xi32, #tpu.memory_space<vmem>>, vector<1x1024xi32>
      %select_n3A_88 = arith.select %lt3A, %add3A_78, %get3A_87 : vector<1x1024xi1>, vector<1x1024xi32>
      %swap3A_89 = arith.constant 2 : index
      %swap3A_90 = arith.constant 0 : index
      %swap3A_91 = vector.load %arg8[%swap3A_89, %swap3A_90] : memref<8x1024xi32, #tpu.memory_space<vmem>>, vector<1x1024xi32>
      tpu.vector_store %arg8[%swap3A_89, %swap3A_90], %select_n3A_88 {strides = array<i32>} : memref<8x1024xi32, #tpu.memory_space<vmem>>, vector<1x1024xi32>,
    } else {
    }
    %eq3A_59 = arith.constant 7 : i32
    %eq3A_60 = arith.cmpi eq, %arg1, %eq3A_59 : i32
    %convert_element_type3A_61 = arith.extui %eq3A_60 : i1 to i32
    %cond3A_62 = arith.constant 0 : i32
    %cond3A_63 = arith.cmpi ne, %convert_element_type3A_61, %cond3A_62 : i32
    scf.if %cond3A_63 {
      %reduce_min3A = arith.constant dense<0x7F800000> : vector<1024xf32>
      %reduce_min3A_69 = vector.multi_reduction <minimumf>, %max3A_20, %reduce_min3A [0] : vector<1024x1024xf32> to vector<1024xf32>
      %broadcast_in_dim3A = vector.shape_cast %reduce_min3A_69 : vector<1024xf32> to vector<1x1024xf32>
      %eq3A_70 = vector.broadcast %broadcast_in_dim3A : vector<1x1024xf32> to vector<1024x1024xf32>
      %eq3A_71 = arith.cmpf oeq, %max3A_20, %eq3A_70 : vector<1024x1024xf32>
      %jit3A = arith.constant 1073741824 : i32
      %broadcast_in_dim3A_72 = vector.broadcast %jit3A : i32 to vector<1024x1024xi32>
      %select_n3A = arith.select %eq3A_71, %iota3A, %broadcast_in_dim3A_72 : vector<1024x1024xi1>, vector<1024x1024xi32>
      %reduce_min3A_73 = arith.constant dense<2147483647> : vector<1024xi32>
      %reduce_min3A_74 = vector.multi_reduction <minsi>, %select_n3A, %reduce_min3A_73 [0] : vector<1024x1024xi32> to vector<1024xi32>
      %broadcast_in_dim3A_75 = vector.shape_cast %reduce_min3A_74 : vector<1024xi32> to vector<1x1024xi32>
      %add3A_76 = arith.constant 7168 : i32
      %add3A_77 = vector.broadcast %add3A_76 : i32 to vector<1x1024xi32>
      %add3A_78 = arith.addi %broadcast_in_dim3A_75, %add3A_77 : vector<1x1024xi32>
      %get3A_79 = arith.constant 2 : index
      %get3A_80 = arith.constant 0 : index
      %get3A_81 = vector.load %arg7[%get3A_79, %get3A_80] : memref<8x1024xf32, #tpu.memory_space<vmem>>, vector<1x1024xf32>
      %lt3A = arith.cmpf olt, %broadcast_in_dim3A, %get3A_81 : vector<1x1024xf32>
      %select_n3A_82 = arith.select %lt3A, %broadcast_in_dim3A, %get3A_81 : vector<1x1024xi1>, vector<1x1024xf32>
      %swap3A = arith.constant 2 : index
      %swap3A_83 = arith.constant 0 : index
      %swap3A_84 = vector.load %arg7[%swap3A, %swap3A_83] : memref<8x1024xf32, #tpu.memory_space<vmem>>, vector<1x1024xf32>
      tpu.vector_store %arg7[%swap3A, %swap3A_83], %select_n3A_82 {strides = array<i32>} : memref<8x1024xf32, #tpu.memory_space<vmem>>, vector<1x1024xf32>,
      %get3A_85 = arith.constant 2 : index
      %get3A_86 = arith.constant 0 : index
      %get3A_87 = vector.load %arg8[%get3A_85, %get3A_86] : memref<8x1024xi32, #tpu.memory_space<vmem>>, vector<1x1024xi32>
      %select_n3A_88 = arith.select %lt3A, %add3A_78, %get3A_87 : vector<1x1024xi1>, vector<1x1024xi32>
      %swap3A_89 = arith.constant 2 : index
      %swap3A_90 = arith.constant 0 : index
      %swap3A_91 = vector.load %arg8[%swap3A_89, %swap3A_90] : memref<8x1024xi32, #tpu.memory_space<vmem>>, vector<1x1024xi32>
      tpu.vector_store %arg8[%swap3A_89, %swap3A_90], %select_n3A_88 {strides = array<i32>} : memref<8x1024xi32, #tpu.memory_space<vmem>>, vector<1x1024xi32>,
    } else {
    }
    %eq3A_64 = arith.constant 7 : i32
    %eq3A_65 = arith.cmpi eq, %arg1, %eq3A_64 : i32
    %convert_element_type3A_66 = arith.extui %eq3A_65 : i1 to i32
    %cond3A_67 = arith.constant 0 : i32
    %cond3A_68 = arith.cmpi ne, %convert_element_type3A_66, %cond3A_67 : i32
    scf.if %cond3A_68 {
      %get3A_69 = arith.constant 0 : index
      %get3A_70 = arith.constant 0 : index
      %get3A_71 = vector.load %arg7[%get3A_69, %get3A_70] : memref<8x1024xf32, #tpu.memory_space<vmem>>, vector<1x1024xf32>
      %bitcast_convert_type3A = tpu.bitcast %get3A_71 : vector<1x1024xf32> -> vector<1x1024xi32>
      %add3A_72 = arith.constant 32767 : i32
      %add3A_73 = vector.broadcast %add3A_72 : i32 to vector<1x1024xi32>
      %add3A_74 = arith.addi %bitcast_convert_type3A, %add3A_73 : vector<1x1024xi32>
      %shift_right_arithmetic3A = arith.constant 16 : i32
      %shift_right_arithmetic3A_75 = vector.broadcast %shift_right_arithmetic3A : i32 to vector<1x1024xi32>
      %shift_right_arithmetic3A_76 = arith.shrsi %bitcast_convert_type3A, %shift_right_arithmetic3A_75 : vector<1x1024xi32>
      %and3A = arith.constant 1 : i32
      %and3A_77 = vector.broadcast %and3A : i32 to vector<1x1024xi32>
      %and3A_78 = arith.andi %shift_right_arithmetic3A_76, %and3A_77 : vector<1x1024xi32>
      %add3A_79 = arith.addi %add3A_74, %and3A_78 : vector<1x1024xi32>
      %and3A_80 = arith.constant -65536 : i32
      %and3A_81 = vector.broadcast %and3A_80 : i32 to vector<1x1024xi32>
      %and3A_82 = arith.andi %add3A_79, %and3A_81 : vector<1x1024xi32>
      %bitcast_convert_type3A_83 = tpu.bitcast %and3A_82 : vector<1x1024xi32> -> vector<1x1024xf32>
      %get3A_84 = arith.constant 0 : index
      %get3A_85 = arith.constant 0 : index
      %get3A_86 = vector.load %arg8[%get3A_84, %get3A_85] : memref<8x1024xi32, #tpu.memory_space<vmem>>, vector<1x1024xi32>
      %get3A_87 = arith.constant 1 : index
      %get3A_88 = arith.constant 0 : index
      %get3A_89 = vector.load %arg7[%get3A_87, %get3A_88] : memref<8x1024xf32, #tpu.memory_space<vmem>>, vector<1x1024xf32>
      %lt3A = arith.cmpf olt, %get3A_89, %bitcast_convert_type3A_83 : vector<1x1024xf32>
      %bitcast_convert_type3A_90 = tpu.bitcast %get3A_89 : vector<1x1024xf32> -> vector<1x1024xi32>
      %add3A_91 = arith.constant 32767 : i32
      %add3A_92 = vector.broadcast %add3A_91 : i32 to vector<1x1024xi32>
      %add3A_93 = arith.addi %bitcast_convert_type3A_90, %add3A_92 : vector<1x1024xi32>
      %shift_right_arithmetic3A_94 = arith.constant 16 : i32
      %shift_right_arithmetic3A_95 = vector.broadcast %shift_right_arithmetic3A_94 : i32 to vector<1x1024xi32>
      %shift_right_arithmetic3A_96 = arith.shrsi %bitcast_convert_type3A_90, %shift_right_arithmetic3A_95 : vector<1x1024xi32>
      %and3A_97 = arith.constant 1 : i32
      %and3A_98 = vector.broadcast %and3A_97 : i32 to vector<1x1024xi32>
      %and3A_99 = arith.andi %shift_right_arithmetic3A_96, %and3A_98 : vector<1x1024xi32>
      %add3A_100 = arith.addi %add3A_93, %and3A_99 : vector<1x1024xi32>
      %and3A_101 = arith.constant -65536 : i32
      %and3A_102 = vector.broadcast %and3A_101 : i32 to vector<1x1024xi32>
      %and3A_103 = arith.andi %add3A_100, %and3A_102 : vector<1x1024xi32>
      %bitcast_convert_type3A_104 = tpu.bitcast %and3A_103 : vector<1x1024xi32> -> vector<1x1024xf32>
      %select_n3A = arith.select %lt3A, %bitcast_convert_type3A_104, %bitcast_convert_type3A_83 : vector<1x1024xi1>, vector<1x1024xf32>
      %get3A_105 = arith.constant 1 : index
      %get3A_106 = arith.constant 0 : index
      %get3A_107 = vector.load %arg8[%get3A_105, %get3A_106] : memref<8x1024xi32, #tpu.memory_space<vmem>>, vector<1x1024xi32>
      %select_n3A_108 = arith.select %lt3A, %get3A_107, %get3A_86 : vector<1x1024xi1>, vector<1x1024xi32>
      %get3A_109 = arith.constant 2 : index
      %get3A_110 = arith.constant 0 : index
      %get3A_111 = vector.load %arg7[%get3A_109, %get3A_110] : memref<8x1024xf32, #tpu.memory_space<vmem>>, vector<1x1024xf32>
      %lt3A_112 = arith.cmpf olt, %get3A_111, %select_n3A : vector<1x1024xf32>
      %get3A_113 = arith.constant 2 : index
      %get3A_114 = arith.constant 0 : index
      %get3A_115 = vector.load %arg8[%get3A_113, %get3A_114] : memref<8x1024xi32, #tpu.memory_space<vmem>>, vector<1x1024xi32>
      %select_n3A_116 = arith.select %lt3A_112, %get3A_115, %select_n3A_108 : vector<1x1024xi1>, vector<1x1024xi32>
      %swap3A = arith.constant 0 : index
      %swap3A_117 = arith.constant 0 : index
      %swap3A_118 = arith.constant 0 : index
      %swap3A_119 = vector.load %arg6[%swap3A, %swap3A_117, %swap3A_118] : memref<1x1x1024xi32, #tpu.memory_space<vmem>>, vector<1x1x1024xi32>
      %swap3A_120 = vector.shape_cast %swap3A_119 : vector<1x1x1024xi32> to vector<1x1024xi32>
      %swap3A_121 = vector.shape_cast %select_n3A_116 : vector<1x1024xi32> to vector<1x1x1024xi32>
      tpu.vector_store %arg6[%swap3A, %swap3A_117, %swap3A_118], %swap3A_121 {strides = array<i32>} : memref<1x1x1024xi32, #tpu.memory_space<vmem>>, vector<1x1x1024xi32>,
    } else {
    }
    return
  }
  func.func @transform_0(%arg0: i32, %arg1: i32) -> (i32, i32, i32) {
    %c0_i32 = arith.constant 0 : i32
    %c0_i32_0 = arith.constant 0 : i32
    %c0_i32_1 = arith.constant 0 : i32
    return %arg0, %c0_i32, %c0_i32_0 : i32, i32, i32
  }
  func.func @transform_1(%arg0: i32, %arg1: i32) -> (i32, i32) {
    %c0_i32 = arith.constant 0 : i32
    %c0_i32_0 = arith.constant 0 : i32
    return %arg1, %c0_i32 : i32, i32
  }
  func.func @transform_2(%arg0: i32, %arg1: i32) -> (i32, i32, i32) {
    %c0_i32 = arith.constant 0 : i32
    %c0_i32_0 = arith.constant 0 : i32
    %c0_i32_1 = arith.constant 0 : i32
    return %arg0, %c0_i32, %c0_i32_0 : i32, i32, i32
  }
  func.func @transform_3(%arg0: i32, %arg1: i32) -> (i32, i32) {
    %c0_i32 = arith.constant 0 : i32
    %c0_i32_0 = arith.constant 0 : i32
    return %arg1, %c0_i32 : i32, i32
  }
  func.func @transform_4(%arg0: i32, %arg1: i32) -> (i32, i32, i32) {
    %c0_i32 = arith.constant 0 : i32
    %c0_i32_0 = arith.constant 0 : i32
    %c0_i32_1 = arith.constant 0 : i32
    return %arg0, %c0_i32, %c0_i32_0 : i32, i32, i32
  }
}

module attributes {stable_mosaic.version = 14 : i64} {
  func.func @_ste_kernel(%arg0: i32, %arg1: memref<1x1024x256xf32, #tpu.memory_space<vmem>>, %arg2: memref<1x256x1024xf32, #tpu.memory_space<vmem>>, %arg3: memref<1x256x1024xf32, #tpu.memory_space<vmem>>, %arg4: memref<1x1xf32, #tpu.memory_space<smem>>, %arg5: memref<1xf32, #tpu.memory_space<smem>>) attributes {dimension_semantics = [#tpu.dimension_semantics<arbitrary>], iteration_bounds = array<i64: 16>, scalar_prefetch = 0 : i64, scratch_operands = 1 : i64, tpu.core_type = #tpu.core_type<tc>, window_params = [{transform_indices = @transform_0, window_bounds = array<i64: 1, 1024, 256>}, {transform_indices = @transform_1, window_bounds = array<i64: 1, 256, 1024>}, {transform_indices = @transform_2, window_bounds = array<i64: 1, 256, 1024>}, {transform_indices = @transform_3, window_bounds = array<i64: 1, 1>}]} {
    %get3A = arith.constant 0 : index
    %get3A_0 = arith.constant 0 : index
    %get3A_1 = arith.constant 0 : index
    %get3A_2 = vector.load %arg1[%get3A, %get3A_0, %get3A_1] : memref<1x1024x256xf32, #tpu.memory_space<vmem>>, vector<1x1024x256xf32>
    %get3A_3 = vector.shape_cast %get3A_2 : vector<1x1024x256xf32> to vector<1024x256xf32>
    %transpose3A = tpu.transpose %get3A_3, [1, 0] : vector<1024x256xf32> -> vector<256x1024xf32>
    %get3A_4 = arith.constant 0 : index
    %get3A_5 = arith.constant 0 : index
    %get3A_6 = arith.constant 0 : index
    %get3A_7 = vector.load %arg2[%get3A_4, %get3A_5, %get3A_6] : memref<1x256x1024xf32, #tpu.memory_space<vmem>>, vector<1x256x1024xf32>
    %get3A_8 = vector.shape_cast %get3A_7 : vector<1x256x1024xf32> to vector<256x1024xf32>
    %sub3A = arith.subf %get3A_8, %transpose3A : vector<256x1024xf32>
    %mul3A = arith.mulf %sub3A, %sub3A : vector<256x1024xf32>
    %reduce_sum3A = vector.shape_cast %mul3A : vector<256x1024xf32> to vector<1x256x1024xf32>
    %reduce_sum3A_9 = arith.constant dense<0.000000e+00> : vector<1xf32>
    %reduce_sum3A_10 = vector.multi_reduction <add>, %reduce_sum3A, %reduce_sum3A_9 [1, 2] : vector<1x256x1024xf32> to vector<1xf32>
    %reduce_sum3A_11 = vector.shape_cast %reduce_sum3A_10 : vector<1xf32> to vector<1x1x1xf32>
    %reduce_sum3A_12 = vector.extract %reduce_sum3A_11[0, 0, 0] : f32 from vector<1x1x1xf32>
    %eq3A = arith.constant 0 : i32
    %eq3A_13 = arith.cmpi eq, %arg0, %eq3A : i32
    %convert_element_type3A = arith.extui %eq3A_13 : i1 to i32
    %cond3A = arith.constant 0 : i32
    %cond3A_14 = arith.cmpi ne, %convert_element_type3A, %cond3A : i32
    scf.if %cond3A_14 {
      %swap3A_30 = arith.constant 0 : index
      %swap3A_31 = memref.load %arg5[%swap3A_30] : memref<1xf32, #tpu.memory_space<smem>>
      memref.store %reduce_sum3A_12, %arg5[%swap3A_30] : memref<1xf32, #tpu.memory_space<smem>>
    } else {
    }
    %gt3A = arith.constant 0 : i32
    %gt3A_15 = arith.cmpi sgt, %arg0, %gt3A : i32
    %convert_element_type3A_16 = arith.extui %gt3A_15 : i1 to i32
    %cond3A_17 = arith.constant 0 : i32
    %cond3A_18 = arith.cmpi ne, %convert_element_type3A_16, %cond3A_17 : i32
    scf.if %cond3A_18 {
      %get3A_30 = arith.constant 0 : index
      %get3A_31 = memref.load %arg5[%get3A_30] : memref<1xf32, #tpu.memory_space<smem>>
      %add3A_32 = arith.addf %get3A_31, %reduce_sum3A_12 : f32
      %swap3A_33 = arith.constant 0 : index
      %swap3A_34 = memref.load %arg5[%swap3A_33] : memref<1xf32, #tpu.memory_space<smem>>
      memref.store %add3A_32, %arg5[%swap3A_33] : memref<1xf32, #tpu.memory_space<smem>>
    } else {
    }
    %sub3A_19 = arith.subf %transpose3A, %get3A_8 : vector<256x1024xf32>
    %add3A = arith.addf %get3A_8, %sub3A_19 : vector<256x1024xf32>
    %swap3A = arith.constant 0 : index
    %swap3A_20 = arith.constant 0 : index
    %swap3A_21 = arith.constant 0 : index
    %swap3A_22 = vector.load %arg3[%swap3A, %swap3A_20, %swap3A_21] : memref<1x256x1024xf32, #tpu.memory_space<vmem>>, vector<1x256x1024xf32>
    %swap3A_23 = vector.shape_cast %swap3A_22 : vector<1x256x1024xf32> to vector<256x1024xf32>
    %swap3A_24 = vector.shape_cast %add3A : vector<256x1024xf32> to vector<1x256x1024xf32>
    tpu.vector_store %arg3[%swap3A, %swap3A_20, %swap3A_21], %swap3A_24 {strides = array<i32>} : memref<1x256x1024xf32, #tpu.memory_space<vmem>>, vector<1x256x1024xf32>,
    %eq3A_25 = arith.constant 15 : i32
    %eq3A_26 = arith.cmpi eq, %arg0, %eq3A_25 : i32
    %convert_element_type3A_27 = arith.extui %eq3A_26 : i1 to i32
    %cond3A_28 = arith.constant 0 : i32
    %cond3A_29 = arith.cmpi ne, %convert_element_type3A_27, %cond3A_28 : i32
    scf.if %cond3A_29 {
      %get3A_30 = arith.constant 0 : index
      %get3A_31 = memref.load %arg5[%get3A_30] : memref<1xf32, #tpu.memory_space<smem>>
      %div3A = arith.constant 0x4A800000 : f32
      %div3A_32 = arith.divf %get3A_31, %div3A : f32
      %mul3A_33 = arith.constant 2.500000e-01 : f32
      %mul3A_34 = arith.mulf %mul3A_33, %div3A_32 : f32
      %swap3A_35 = arith.constant 0 : index
      %swap3A_36 = arith.constant 0 : index
      %swap3A_37 = memref.load %arg4[%swap3A_35, %swap3A_36] : memref<1x1xf32, #tpu.memory_space<smem>>
      memref.store %mul3A_34, %arg4[%swap3A_35, %swap3A_36] : memref<1x1xf32, #tpu.memory_space<smem>>
    } else {
    }
    return
  }
  func.func @transform_0(%arg0: i32) -> (i32, i32, i32) {
    %c0_i32 = arith.constant 0 : i32
    %c0_i32_0 = arith.constant 0 : i32
    %c0_i32_1 = arith.constant 0 : i32
    return %arg0, %c0_i32, %c0_i32_0 : i32, i32, i32
  }
  func.func @transform_1(%arg0: i32) -> (i32, i32, i32) {
    %c0_i32 = arith.constant 0 : i32
    %c0_i32_0 = arith.constant 0 : i32
    %c0_i32_1 = arith.constant 0 : i32
    return %arg0, %c0_i32, %c0_i32_0 : i32, i32, i32
  }
  func.func @transform_2(%arg0: i32) -> (i32, i32, i32) {
    %c0_i32 = arith.constant 0 : i32
    %c0_i32_0 = arith.constant 0 : i32
    %c0_i32_1 = arith.constant 0 : i32
    return %arg0, %c0_i32, %c0_i32_0 : i32, i32, i32
  }
  func.func @transform_3(%arg0: i32) -> (i32, i32) {
    %c0_i32 = arith.constant 0 : i32
    %c0_i32_0 = arith.constant 0 : i32
    %c0_i32_1 = arith.constant 0 : i32
    return %c0_i32, %c0_i32_0 : i32, i32
  }
}

module attributes {stable_mosaic.version = 14 : i64} {
  func.func @_encode_kernel(%arg0: i32, %arg1: i32, %arg2: memref<1x1024x1xi32, #tpu.memory_space<vmem>>, %arg3: memref<1024x1024xf32, #tpu.memory_space<vmem>>, %arg4: memref<1x1xf32, #tpu.memory_space<smem>>, %arg5: memref<8x1024xf32, #tpu.memory_space<vmem>>) attributes {dimension_semantics = [#tpu.dimension_semantics<arbitrary>, #tpu.dimension_semantics<arbitrary>], iteration_bounds = array<i64: 16, 8>, scalar_prefetch = 0 : i64, scratch_operands = 1 : i64, tpu.core_type = #tpu.core_type<tc>, window_params = [{transform_indices = @transform_0, window_bounds = array<i64: 1, 1024, 1>}, {transform_indices = @transform_1, window_bounds = array<i64: 1024, 1024>}, {transform_indices = @transform_2, window_bounds = array<i64: 1, 1>}]} {
    %iota3A = tpu.iota {dimensions = array<i32: 1>} : vector<1024x1024xi32>
    %mul3A = arith.constant 1024 : i32
    %mul3A_0 = arith.muli %arg1, %mul3A : i32
    %add3A = vector.broadcast %mul3A_0 : i32 to vector<1024x1024xi32>
    %add3A_1 = arith.addi %iota3A, %add3A : vector<1024x1024xi32>
    %get3A = arith.constant 0 : index
    %get3A_2 = arith.constant 0 : index
    %get3A_3 = arith.constant 0 : index
    %get3A_4 = vector.load %arg2[%get3A, %get3A_2, %get3A_3] : memref<1x1024x1xi32, #tpu.memory_space<vmem>>, vector<1x1024x1xi32>
    %get3A_5 = vector.shape_cast %get3A_4 : vector<1x1024x1xi32> to vector<1024x1xi32>
    %eq3A = vector.broadcast %get3A_5 : vector<1024x1xi32> to vector<1024x1024xi32>
    %eq3A_6 = arith.cmpi eq, %eq3A, %add3A_1 : vector<1024x1024xi32>
    %convert_element_type3A = arith.extui %eq3A_6 : vector<1024x1024xi1> to vector<1024x1024xi32>
    %convert_element_type3A_7 = arith.sitofp %convert_element_type3A : vector<1024x1024xi32> to vector<1024x1024xf32>
    %swap3A = arith.constant 0 : index
    %swap3A_8 = arith.constant 0 : index
    %swap3A_9 = vector.load %arg3[%swap3A, %swap3A_8] : memref<1024x1024xf32, #tpu.memory_space<vmem>>, vector<1024x1024xf32>
    tpu.vector_store %arg3[%swap3A, %swap3A_8], %convert_element_type3A_7 {strides = array<i32>} : memref<1024x1024xf32, #tpu.memory_space<vmem>>, vector<1024x1024xf32>,
    %reduce_sum3A = arith.constant dense<0.000000e+00> : vector<1024xf32>
    %reduce_sum3A_10 = vector.multi_reduction <add>, %convert_element_type3A_7, %reduce_sum3A [0] : vector<1024x1024xf32> to vector<1024xf32>
    %broadcast_in_dim3A = vector.shape_cast %reduce_sum3A_10 : vector<1024xf32> to vector<1x1024xf32>
    %eq3A_11 = arith.constant 0 : i32
    %eq3A_12 = arith.cmpi eq, %arg0, %eq3A_11 : i32
    %convert_element_type3A_13 = arith.extui %eq3A_12 : i1 to i32
    %cond3A = arith.constant 0 : i32
    %cond3A_14 = arith.cmpi ne, %convert_element_type3A_13, %cond3A : i32
    scf.if %cond3A_14 {
      %swap3A_26 = arith.index_cast %arg1 : i32 to index
      %swap3A_27 = arith.constant 0 : index
      %swap3A_28 = vector.load %arg5[%swap3A_26, %swap3A_27] : memref<8x1024xf32, #tpu.memory_space<vmem>>, vector<1x1024xf32>
      tpu.vector_store %arg5[%swap3A_26, %swap3A_27], %broadcast_in_dim3A {strides = array<i32>} : memref<8x1024xf32, #tpu.memory_space<vmem>>, vector<1x1024xf32>,
    } else {
    }
    %gt3A = arith.constant 0 : i32
    %gt3A_15 = arith.cmpi sgt, %arg0, %gt3A : i32
    %convert_element_type3A_16 = arith.extui %gt3A_15 : i1 to i32
    %cond3A_17 = arith.constant 0 : i32
    %cond3A_18 = arith.cmpi ne, %convert_element_type3A_16, %cond3A_17 : i32
    scf.if %cond3A_18 {
      %get3A_26 = arith.index_cast %arg1 : i32 to index
      %get3A_27 = arith.constant 0 : index
      %get3A_28 = vector.load %arg5[%get3A_26, %get3A_27] : memref<8x1024xf32, #tpu.memory_space<vmem>>, vector<1x1024xf32>
      %add3A_29 = arith.addf %get3A_28, %broadcast_in_dim3A : vector<1x1024xf32>
      %swap3A_30 = arith.index_cast %arg1 : i32 to index
      %swap3A_31 = arith.constant 0 : index
      %swap3A_32 = vector.load %arg5[%swap3A_30, %swap3A_31] : memref<8x1024xf32, #tpu.memory_space<vmem>>, vector<1x1024xf32>
      tpu.vector_store %arg5[%swap3A_30, %swap3A_31], %add3A_29 {strides = array<i32>} : memref<8x1024xf32, #tpu.memory_space<vmem>>, vector<1x1024xf32>,
    } else {
    }
    %eq3A_19 = arith.constant 15 : i32
    %eq3A_20 = arith.cmpi eq, %arg0, %eq3A_19 : i32
    %eq3A_21 = arith.constant 7 : i32
    %eq3A_22 = arith.cmpi eq, %arg1, %eq3A_21 : i32
    %and3A = arith.andi %eq3A_20, %eq3A_22 : i1
    %convert_element_type3A_23 = arith.extui %and3A : i1 to i32
    %cond3A_24 = arith.constant 0 : i32
    %cond3A_25 = arith.cmpi ne, %convert_element_type3A_23, %cond3A_24 : i32
    scf.if %cond3A_25 {
      %get3A_26 = arith.constant 0 : index
      %get3A_27 = arith.constant 0 : index
      %get3A_28 = vector.load %arg5[%get3A_26, %get3A_27] : memref<8x1024xf32, #tpu.memory_space<vmem>>, vector<8x1024xf32>
      %mul3A_29 = arith.constant 6.10351563E-5 : f32
      %mul3A_30 = vector.broadcast %mul3A_29 : f32 to vector<8x1024xf32>
      %mul3A_31 = arith.mulf %get3A_28, %mul3A_30 : vector<8x1024xf32>
      %add3A_32 = arith.constant 1.000000e-10 : f32
      %add3A_33 = vector.broadcast %add3A_32 : f32 to vector<8x1024xf32>
      %add3A_34 = arith.addf %mul3A_31, %add3A_33 : vector<8x1024xf32>
      %log3A = math.log %add3A_34 : vector<8x1024xf32>
      %mul3A_35 = arith.mulf %mul3A_31, %log3A : vector<8x1024xf32>
      %reduce_sum3A_36 = vector.shape_cast %mul3A_35 : vector<8x1024xf32> to vector<1x8x1024xf32>
      %reduce_sum3A_37 = arith.constant dense<0.000000e+00> : vector<1xf32>
      %reduce_sum3A_38 = vector.multi_reduction <add>, %reduce_sum3A_36, %reduce_sum3A_37 [1, 2] : vector<1x8x1024xf32> to vector<1xf32>
      %reduce_sum3A_39 = vector.shape_cast %reduce_sum3A_38 : vector<1xf32> to vector<1x1x1xf32>
      %reduce_sum3A_40 = vector.extract %reduce_sum3A_39[0, 0, 0] : f32 from vector<1x1x1xf32>
      %neg3A = arith.constant 0.000000e+00 : f32
      %neg3A_41 = arith.subf %neg3A, %reduce_sum3A_40 : f32
      %exp3A = math.exp %neg3A_41 : f32
      %swap3A_42 = arith.constant 0 : index
      %swap3A_43 = arith.constant 0 : index
      %swap3A_44 = memref.load %arg4[%swap3A_42, %swap3A_43] : memref<1x1xf32, #tpu.memory_space<smem>>
      memref.store %exp3A, %arg4[%swap3A_42, %swap3A_43] : memref<1x1xf32, #tpu.memory_space<smem>>
    } else {
    }
    return
  }
  func.func @transform_0(%arg0: i32, %arg1: i32) -> (i32, i32, i32) {
    %c0_i32 = arith.constant 0 : i32
    %c0_i32_0 = arith.constant 0 : i32
    %c0_i32_1 = arith.constant 0 : i32
    return %arg0, %c0_i32, %c0_i32_0 : i32, i32, i32
  }
  func.func @transform_1(%arg0: i32, %arg1: i32) -> (i32, i32) {
    %c0_i32 = arith.constant 0 : i32
    return %arg0, %arg1 : i32, i32
  }
  func.func @transform_2(%arg0: i32, %arg1: i32) -> (i32, i32) {
    %c0_i32 = arith.constant 0 : i32
    %c0_i32_0 = arith.constant 0 : i32
    %c0_i32_1 = arith.constant 0 : i32
    return %c0_i32, %c0_i32_0 : i32, i32
  }
}

</mosaic_0001>

<sc_bundles>
// kernel: kernel.6.cloned.1.call-start
scs
__scs_entry_jumppad:
0x0: {  	(pc) =	sbr.rel $0x88, $3  }
0x1: {  	(tag) =	ssettag $0x0;
	lr =	simm.s32 $0x1  }
0x2: {  	[smem:$0x3F9F] =	sst lr;
	_ =	strace $0xD0000000  }
0x3: {  	_ = 	snop  }
0x4: {  	_ = 	snop  }
0x5: {  	_ = 	snop  }
0x6: {  	_ = 	snop  }
0x7: {  	_ = 	snop  }
__scs_overlays_trampoline_lowered:
0x8: {  	[smem:$0x3FAE] =	sst s0  }
0x9: {  	[smem:$0x3FAF] =	sst s1  }
0xa: {  	[smem:$0x3FB0] =	sst s2  }
0xb: {  	[smem:$0x3FB1] =	sst s3  }
0xc: {  	[smem:$0x3FB2] =	sst s4  }
0xd: {  	[smem:$0x3FB3] =	sst s5  }
0xe: {  	[smem:$0x3FB4] =	sst s6  }
0xf: {  	[smem:$0x3FB5] =	sst s7  }
0x10: {  	[smem:$0x3FB6] =	sst s8  }
0x11: {  	[smem:$0x3FB7] =	sst s9;
	s0 =	simm.s32 @!p0 $0x0  }
0x12: {  	s1 =	sld [smem:$0x3F9D];
	s0 =	simm.s32 @p0 $0x1  }
0x13: {  	[smem:$0x3FB8] =	sst s0;
	s0 =	simm.s32 @!p1 $0x0  }
0x14: {  	s2 =	sld [smem:$0x3F9C];
	s0 =	simm.s32 @p1 $0x1  }
0x15: {  	[smem:$0x3FB9] =	sst s0;
	s0 =	simm.s32 @!p2 $0x0  }
0x16: {  	s3 =	sld [smem:$0x3FDB];
	s0 =	simm.s32 @p2 $0x1  }
0x17: {  	s4 =	simm.s32 $0x1BF5;
	[smem:$0x3FBB] =	sst s0  }
0x18: {  	s0 =	sld [smem:$0x3F9E];
	_ =	swait.ge [sflag:s4], $0x0  }
0x19: {  	s7 =	sld [smem:$0x3F9F]  }
0x1a: {  	s8 =	sadd.s32 $0xFFFFE003, lr  }
0x1b: {  	s9 =	sadd.s32 $0xFFFFFEF7, lr;
	s5 =	simm.s32 $0xFFFFFFFF;
	p2 =	slt.u32 s8, $0xFFFFF086  }
0x1c: {  	p1 =	slt.u32 s9, $0xF7A;
	s5 =	simm.s32 @!p2 $0x0  }
0x1d: {  	s5 =	simm.s32 @p1 $0x1;
	p0 =	seq.s32 s7, s2  }
0x1e: {  	s7 =	smul.u32 @!p0 $0xF7A, s2;
	p2 =	seq.s32 @!p0 s5, $0x0  }
0x1f: {  	s9 =	smul.u32 $0xF7A, s1;
	s8 =	simm.s32 @!p0 $0x1BF5;
	p2 =	por !p2, p0  }
0x20: {  	[sflag:s8] =	ssyncset.s32 @!p0 $0xFFFFF086;
	s6 =	sadd.s32 @!p0 s3, s7;
	s7 =	simm.s32 @!p0 $0x108  }
0x21: {  	s3 =	sadd.s32 s3, s9;
	s6 =	sadd.s32 @!p0 $0x88, s6;
	s7 =	simm.s32 @p2 $0x1082  }
0x22: {  	[simem:s7], [sflag:s8] =	dma.local @!p0 [hbm:s6], $0xF7A  }
0x23: {  	s9 =	sor.u32 $0xD0000000, s2;
	s6 =	simm.s32 $0x108;
	_ =	swait.ge @!p0 [sflag:s8], $0x0  }
0x24: {  	s3 =	sadd.s32 $0x88, s3;
	s6 =	simm.s32 @!p1 $0x1082;
	[sflag:s4] =	ssyncset.s32 $0xFFFFF086  }
0x25: {  	[simem:s6], [sflag:s4] =	dma.local [hbm:s3], $0xF7A  }
0x26: {  	[smem:$0x3F9F] =	sst s1;
	(tag) =	ssettag s2;
	_ =	strace s9  }
0x27: {  	s1 =	sld [smem:$0x3FAF]  }
0x28: {  	s2 =	sld [smem:$0x3FB0]  }
0x29: {  	s4 =	sld [smem:$0x3FB2]  }
0x2a: {  	p0 =	seq.s32 s5, $0x0;
	s5 =	sld [smem:$0x3FB3]  }
0x2b: {  	s6 =	sld [smem:$0x3FB4]  }
0x2c: {  	s7 =	sld [smem:$0x3FB5]  }
0x2d: {  	s3 =	simm.s32 $0x108;
	s8 =	sld [smem:$0x3FB6]  }
0x2e: {  	s3 =	simm.s32 @!p0 $0x1082;
	s9 =	sld [smem:$0x3FB7]  }
0x2f: {  	lr =	sadd.s32 s0, s3;
	s0 =	sld [smem:$0x3FAE]  }
0x30: {  	s3 =	sld [smem:$0x3FB1]  }
0x31: {  	[smem:$0x3FBA] =	sst s10  }
0x32: {  	s10 =	sld [smem:$0x3FB8];
	_ =	sdelay $0x3  }
0x33: {  	p0 =	seq.s32 s10, $0x1;
	s10 =	sld [smem:$0x3FBA];
	_ =	sdelay $0x3  }
0x34: {  	[smem:$0x3FBA] =	sst s10  }
0x35: {  	s10 =	sld [smem:$0x3FB9];
	_ =	sdelay $0x3  }
0x36: {  	p1 =	seq.s32 s10, $0x1;
	s10 =	sld [smem:$0x3FBA];
	_ =	sdelay $0x3  }
0x37: {  	[smem:$0x3FBA] =	sst s10  }
0x38: {  	s10 =	sld [smem:$0x3FBB]  }
0x39: {  	_ = 	snop;
	(pc) =	sbr.ind lr, $3  }
0x3a: {  	_ = 	snop  }
0x3b: {  	_ = 	snop  }
0x3c: {  	p2 =	seq.s32 s10, $0x1;
	s10 =	sld [smem:$0x3FBA]  }
0x3d: {  	_ =	shalt  }
0x3e: {  	_ =	shalt  }
0x3f: {  	_ =	shalt  }
0x40: {  	_ =	shalt  }
0x41: {  	_ =	shalt  }
0x42: {  	_ =	shalt  }
0x43: {  	_ =	shalt  }
0x44: {  	_ =	shalt  }
0x45: {  	_ =	shalt  }
0x46: {  	_ =	shalt  }
0x47: {  	_ =	shalt  }
0x48: {  	_ =	shalt  }
0x49: {  	_ =	shalt  }
0x4a: {  	_ =	shalt  }
0x4b: {  	_ =	shalt  }
0x4c: {  	_ =	shalt  }
0x4d: {  	_ =	shalt  }
0x4e: {  	_ =	shalt  }
0x4f: {  	_ =	shalt  }
0x50: {  	_ =	shalt  }
0x51: {  	_ =	shalt  }
0x52: {  	_ =	shalt  }
0x53: {  	_ =	shalt  }
0x54: {  	_ =	shalt  }
0x55: {  	_ =	shalt  }
0x56: {  	_ =	shalt  }
0x57: {  	_ =	shalt  }
0x58: {  	_ =	shalt  }
0x59: {  	_ =	shalt  }
0x5a: {  	_ =	shalt  }
0x5b: {  	_ =	shalt  }
0x5c: {  	_ =	shalt  }
0x5d: {  	_ =	shalt  }
0x5e: {  	_ =	shalt  }
0x5f: {  	_ =	shalt  }
0x60: {  	_ =	shalt  }
0x61: {  	_ =	shalt  }
0x62: {  	_ =	shalt  }
0x63: {  	_ =	shalt  }
0x64: {  	_ =	shalt  }
0x65: {  	_ =	shalt  }
0x66: {  	_ =	shalt  }
0x67: {  	_ =	shalt  }
0x68: {  	_ =	shalt  }
0x69: {  	_ =	shalt  }
0x6a: {  	_ =	shalt  }
0x6b: {  	_ =	shalt  }
0x6c: {  	_ =	shalt  }
0x6d: {  	_ =	shalt  }
0x6e: {  	_ =	shalt  }
0x6f: {  	_ =	shalt  }
0x70: {  	_ =	shalt  }
0x71: {  	_ =	shalt  }
0x72: {  	_ =	shalt  }
0x73: {  	_ =	shalt  }
0x74: {  	_ =	shalt  }
0x75: {  	_ =	shalt  }
0x76: {  	_ =	shalt  }
0x77: {  	_ =	shalt  }
0x78: {  	_ =	shalt  }
0x79: {  	_ =	shalt  }
0x7a: {  	_ =	shalt  }
0x7b: {  	_ =	shalt  }
0x7c: {  	_ =	shalt  }
0x7d: {  	_ =	shalt  }
0x7e: {  	_ =	shalt  }
0x7f: {  	_ =	shalt  }
0x80: {  	_ =	shalt  }
0x81: {  	_ =	shalt  }
0x82: {  	_ =	shalt  }
0x83: {  	_ =	shalt  }
0x84: {  	_ =	shalt  }
0x85: {  	_ =	shalt  }
0x86: {  	_ =	shalt  }
0x87: {  	_ =	shalt  }
.Lfunc_end0:
.L_simem_size_0:
called_computation_lowered:
.L_overlay_start_0:
0x88: {  	s2 =	sld [smem:$0x3FD9]  }
0x89: {  	s3 =	sld [smem:$0x3FFE];
	_ =	sdelay $0x1  }
0x8a: {  	s1 =	srdreg.scid  }
0x8b: {  	s0 =	sand.u32 $0x1, s1  }
0x8c: {  	s17 =	sshll.u32 s0, $0xA;
	s2 =	sadd.s32 s3, s2  }
0x8d: {  	s2 =	sadd.s32 s2, s17  }
0x8e: {  	[smem:$0x3FC6] =	sst s2  }
0x8f: {  	_ = 	snop  }
0x90: {  	s2 =	sld [smem:$0x3FC8];
	(tm) =	ssettm $0x1  }
0x91: {  	s18 =	sld [smem:$0x3FFB];
	_ =	sdelay $0x3  }
0x92: {  	_ =	strace s18  }
0x93: {  	s3 =	sld [smem:$0x3FFC];
	_ =	sdelay $0x3  }
0x94: {  	_ =	strace s3  }
0x95: {  	s3 =	sld [smem:$0x3FFD];
	_ =	sdelay $0x3  }
0x96: {  	_ =	strace s3  }
0x97: {  	_ =	strace $0x8FFFFFFF  }
0x98: {  	s19 =	sld [smem:$0x3FDB];
	_ =	sdelay $0x1  }
0x99: {  	s4 =	simm.s32 $_scs_section_size  }
0x9a: {  	s5 =	simm.s32 $_size__tile_overlayer_lowered;
	s6 =	simm.s32 $_tile_overlayer_lowered  }
0x9b: {  	s22 =	simm.s32 $0x1BFF;
	s21 =	sshll.u32 s6, $0x1;
	s3 =	sadd.s32 s4, s19  }
0x9c: {  	s7 =	simm.s32 $0x0;
	s20 =	sshll.u32 s5, $0x1;
	s5 =	sadd.s32 s21, s3  }
0x9d: {  	[timem:s7], [sflag:s22] =	dma.local [hbm:s5], s20  }
0x9e: {  	_ =	swait.ge [sflag:s22], s20  }
0x9f: {  	s4 =	ssub.s32 $0x0, s20;
	[sflag:s22] =	ssyncset.done $0x0  }
0xa0: {  	[sflag:s22] =	ssyncadd.s32 s4;
	_ =	sdelay $0x1  }
0xa1: {  	s23 =	simm.s32 $0x1B8B  }
0xa2: {  	_ =	swait.ge [sflag:s23], $0x1  }
0xa3: {  	[sflag:s23] =	ssyncset.done $0x0  }
0xa4: {  	s25 =	simm.s32 $0x1B8E;
	s24 =	sld [smem:$0x3FFE];
	[sflag:s23] =	ssyncadd.s32 $0xFFFFFFFF  }
0xa5: {  	s26 =	simm.s32 $execute0_lowered;
	[smem:$0x3FD2] =	sst s25  }
0xa6: {  	s5 =	sshll.u32 s26, $0x1;
	_ =	strace $0x80000046;
	[dreg:$0x1] =	wrdreg $0xFFFFFFFF  }
0xa7: {  	s28 =	simm.s32 $_size_execute0_lowered;
	s3 =	sadd.s32 s3, s5;
	[dreg:$0x0] =	wrdreg $0x0  }
0xa8: {  	s5 =	sshll.u32 s28, $0x1;
	[dreg:$0x2] =	wrdreg s3  }
0xa9: {  	[dreg:$0x3] =	wrdreg s5  }
0xaa: {  	[dreg:$0x4] =	wrdreg $0xC0  }
0xab: {  	_ =	task [dreg:s7], $0x5FFFF  }
0xac: {  	[dreg:$0x1] =	wrdreg $0xFFFFFFFF  }
0xad: {  	[dreg:$0x0] =	wrdreg $0x60  }
0xae: {  	[dreg:$0x2] =	wrdreg s2  }
0xaf: {  	[dreg:$0x3] =	wrdreg s24  }
0xb0: {  	[dreg:$0x4] =	wrdreg $0x9  }
0xb1: {  	_ =	task.clear_ibuf [dreg:s7], $0x5FFFF;
	_ =	strace $0x90000046  }
0xb2: {  	s29 =	simm.s32 $0x9;
	_ =	strace $0x80000048  }
0xb3: {  	_ =	swait.ge [sflag:s29], $0x1  }
0xb4: {  	[sflag:s29] =	ssyncadd.s32 $0xFFFFFFFF  }
0xb5: {  	_ =	strace $0x90000048  }
0xb6: {  	_ =	sfence  }
0xb7: {  	s30 =	sld [smem:$0x0];
	_ =	sdelay $0x2  }
0xb8: {  	s31 =	sshll.u32 s1, $0xD;
	s1 =	sshrl.u32 s1, $0x2  }
0xb9: {  	s3 =	sand.u32 $0x4000, s31;
	s1 =	sadd.s32 s1, s30  }
0xba: {  	s0 =	sor.u32 s3, s0;
	s1 =	sshll.u32 s1, $0x11  }
0xbb: {  	s0 =	sor.u32 s1, s0  }
0xbc: {  	s0 =	sadd.s32 $0x8F2B, s0  }
0xbd: {  	[sflag:s0] =	ssyncadd.remote.s32 $0x1  }
0xbe: {  	_ =	sfence.sel $0xFFFF  }
0xbf: {  	[dreg:$0x0] =	wrdreg $0xFFFFFFFF;
	(pc) =	sbr.abs _section_cstart, $3  }
0xc0: {  	[dreg:$0x1] =	wrdreg $0xFFFFFFFF  }
0xc1: {  	_ =	task.clear_ibuf [dreg:s7], $0x2FFFF;
	_ =	strace $0x9FFFFFFF  }
0xc2: {  	(tm) =	ssettm $0x7FFFFFFF  }
0xc3: {  	_ =	shalt  }
tec
execute0_lowered:
.L_overlay_start_1:
0x0: {  	(tag) =	ssettag $0x1  }
0x1: {  	s1 =	rddreg [dreg:$0x0]  }
0x2: {  	s0 =	srdreg.scid;
	s2 =	rddreg [dreg:$0x1];
	s3 =	simm.s32 $0x0  }
0x3: {  	s7 =	stileid.u32;
	s14 =	simm.s32 $0x3;
	s15 =	simm.s32 $0x4  }
0x4: {  	s17 =	simm.s32 $0xA00;
	s18 =	simm.s32 $0x1200;
	s19 =	simm.s32 $0x1A00  }
0x5: {  	s20 =	simm.s32 $0x2200;
	s21 =	simm.s32 $0x2A00;
	s28 =	simm.s32 $0x4A00  }
0x6: {  	s29 =	simm.s32 $0x5200;
	s30 =	simm.s32 $0x5A00;
	s31 =	simm.s32 $0x6200  }
0x7: {  	s22 =	simm.s32 $0x8200;
	s8 =	simm.s32 $0x8A00;
	s9 =	simm.s32 $0x9200  }
0x8: {  	s10 =	simm.s32 $0x9A00;
	s11 =	simm.s32 $0xA200;
	s12 =	simm.s32 $0xAA00  }
0x9: {  	s0 =	sand.u32 $0x1, s0;
	s5 =	sshll.u32 s7, $0xF;
	s7 =	sshll.u32 s7, $0x7  }
0xa: {  	[smem:$0x7FF] =	sst s3;
	s4 =	sshll.u32 s0, $0x6;
	s6 =	sshll.u32 s0, $0xE  }
0xb: {  	_ =	strace $0x80000047;
	s0 =	ssub.s32 $0x2, s0;
	s4 =	sadd.s32 s4, s2  }
0xc: {  	s5 =	sor.u32 s6, s5;
	s25 =	sshrl.u32 s0, $0x1;
	s4 =	sadd.s32 s7, s4  }
0xd: {  	s6 =	simm.s32 $0x2;
	s2 =	sadd.s32 s5, s2;
	s4 =	sadd.s32 $0x600, s4  }
0xe: {  	s0 =	ssub.s32 s0, s25;
	s23 =	sadd.s32 $0xE00, s2;
	[dreg:$0x3] =	wrdreg s4  }
0xf: {  	s25 =	simm.s32 $0x3A00;
	s24 =	sadd.s32 $0x1E00, s2;
	[dreg:$0x4] =	wrdreg s23  }
0x10: {  	s5 =	simm.s32 $0x6A00;
	s26 =	sadd.s32 $0x2E00, s2;
	[dreg:$0x5] =	wrdreg s24  }
0x11: {  	v2 =	vlaneseq.u32;
	s7 =	simm.s32 $0x7A00;
	s2 =	sadd.s32 $0x3E00, s2;
	[dreg:$0x6] =	wrdreg s26  }
0x12: {  	vm0 =	vmmov $0xffff;
	v1 =	vshrl.u32 v2, $0x3;
	[dreg:$0x7] =	wrdreg s2;
	s4 =	smax.u32 s0, $0x1;
	s24 =	simm.s32 $0x3200  }
0x13: {  	v0 =	vand.u32 $0x7, v2;
	v2 =	vor.u32 $0x8, v2;
	v1 =	vmul.u32 $0x8, v1;
	s26 =	simm.s32 $0x4200;
	s2 =	simm.s32 $0x7200;
	s23 =	simm.s32 $0xC200  }
.LBB2_1:
0x14: {  	s16 =	rddreg [dreg:$0x3];
	s0 =	simm.s32 $0x5  }
0x15: {  	[tilespmem:s3], [sflag:$0x5] =	stream.linear.gather [hbm4b:s16+s3], $0x200, $0x38;
	[tilespmem:$0x10200] =	vst v63  }
0x16: {  	_ =	swait.ge [sflag:s0], $0x200  }
0x17: {  	[sflag:s0] =	ssyncset.done $0x0  }
0x18: {  	[sflag:s0] =	ssyncadd.s32 $0xFFFFFE00  }
0x19: {  	v3 =	vld [tilespmem:$0x0];
	_ =	sdelay $0x4  }
0x1a: {  	v4 =	vshll.u32 v3, $0x1  }
0x1b: {  	v3 =	vand.u32 $0x7, v3;
	v4 =	vand.u32 $0xFFFFFFF0, v4  }
0x1c: {  	v3 =	vor.u32 v3, v4  }
0x1d: {  	v4 =	vperm.xlane v3, v0;
	_ =	sdelay $0x1  }
0x1e: {  	v3 =	vperm.xlane v3, v2;
	v4 =	vadd.s32 v1, v4;
	_ =	sdelay $0x1  }
0x1f: {  	v3 =	vadd.s32 v1, v3;
	_ =	sdelay $0x1  }
0x20: {  	s13 =	simm.s32 $0x200  }
0x21: {  	[tilespmem:s13], [sflag:$0x1] =	stream.indirect_vreg.gather [hbm4b:s1+s3], $0x80, v4, vm0, $0xb8;
	[tilespmem:$0x10200] =	vst v63  }
0x22: {  	_ = 	snop  }
0x23: {  	[tilespmem:s17], [sflag:$0x1] =	stream.indirect_vreg.gather [hbm4b:s1+s3], $0x80, v3, vm0, $0xb8;
	[tilespmem:$0x10200] =	vst v63  }
0x24: {  	v3 =	vld [tilespmem:$0x10];
	_ =	sdelay $0x4  }
0x25: {  	v33 =	vshll.u32 v3, $0x1  }
0x26: {  	v3 =	vand.u32 $0x7, v3;
	v4 =	vand.u32 $0xFFFFFFF0, v33  }
0x27: {  	v3 =	vor.u32 v3, v4  }
0x28: {  	v4 =	vperm.xlane v3, v0;
	_ =	sdelay $0x1  }
0x29: {  	v3 =	vperm.xlane v3, v2;
	v4 =	vadd.s32 v1, v4;
	_ =	sdelay $0x1  }
0x2a: {  	v3 =	vadd.s32 v1, v3;
	_ =	sdelay $0x2  }
0x2b: {  	[tilespmem:s18], [sflag:$0x1] =	stream.indirect_vreg.gather [hbm4b:s1+s3], $0x80, v4, vm0, $0xb8;
	[tilespmem:$0x10200] =	vst v63  }
0x2c: {  	_ = 	snop  }
0x2d: {  	[tilespmem:s19], [sflag:$0x1] =	stream.indirect_vreg.gather [hbm4b:s1+s3], $0x80, v3, vm0, $0xb8;
	[tilespmem:$0x10200] =	vst v63  }
0x2e: {  	v3 =	vld [tilespmem:$0x20];
	_ =	sdelay $0x4  }
0x2f: {  	v34 =	vshll.u32 v3, $0x1  }
0x30: {  	v3 =	vand.u32 $0x7, v3;
	v4 =	vand.u32 $0xFFFFFFF0, v34  }
0x31: {  	v3 =	vor.u32 v3, v4  }
0x32: {  	v4 =	vperm.xlane v3, v0;
	_ =	sdelay $0x1  }
0x33: {  	v3 =	vperm.xlane v3, v2;
	v4 =	vadd.s32 v1, v4;
	_ =	sdelay $0x1  }
0x34: {  	v3 =	vadd.s32 v1, v3;
	_ =	sdelay $0x2  }
0x35: {  	[tilespmem:s20], [sflag:$0x1] =	stream.indirect_vreg.gather [hbm4b:s1+s3], $0x80, v4, vm0, $0xb8;
	[tilespmem:$0x10200] =	vst v63  }
0x36: {  	_ = 	snop  }
0x37: {  	[tilespmem:s21], [sflag:$0x1] =	stream.indirect_vreg.gather [hbm4b:s1+s3], $0x80, v3, vm0, $0xb8;
	[tilespmem:$0x10200] =	vst v63  }
0x38: {  	v3 =	vld [tilespmem:$0x30];
	_ =	sdelay $0x4  }
0x39: {  	v35 =	vshll.u32 v3, $0x1  }
0x3a: {  	v3 =	vand.u32 $0x7, v3;
	v4 =	vand.u32 $0xFFFFFFF0, v35  }
0x3b: {  	v3 =	vor.u32 v3, v4  }
0x3c: {  	v4 =	vperm.xlane v3, v0;
	_ =	sdelay $0x1  }
0x3d: {  	v3 =	vperm.xlane v3, v2;
	v4 =	vadd.s32 v1, v4;
	_ =	sdelay $0x1  }
0x3e: {  	v3 =	vadd.s32 v1, v3;
	_ =	sdelay $0x2  }
0x3f: {  	[tilespmem:s24], [sflag:$0x1] =	stream.indirect_vreg.gather [hbm4b:s1+s3], $0x80, v4, vm0, $0xb8;
	[tilespmem:$0x10200] =	vst v63  }
0x40: {  	_ = 	snop  }
0x41: {  	[tilespmem:s25], [sflag:$0x1] =	stream.indirect_vreg.gather [hbm4b:s1+s3], $0x80, v3, vm0, $0xb8;
	[tilespmem:$0x10200] =	vst v63  }
0x42: {  	v3 =	vld [tilespmem:$0x40];
	_ =	sdelay $0x4  }
0x43: {  	v36 =	vshll.u32 v3, $0x1  }
0x44: {  	v3 =	vand.u32 $0x7, v3;
	v4 =	vand.u32 $0xFFFFFFF0, v36  }
0x45: {  	v3 =	vor.u32 v3, v4  }
0x46: {  	v4 =	vperm.xlane v3, v0;
	_ =	sdelay $0x1  }
0x47: {  	v3 =	vperm.xlane v3, v2;
	v4 =	vadd.s32 v1, v4;
	_ =	sdelay $0x1  }
0x48: {  	v3 =	vadd.s32 v1, v3;
	_ =	sdelay $0x2  }
0x49: {  	[tilespmem:s26], [sflag:$0x1] =	stream.indirect_vreg.gather [hbm4b:s1+s3], $0x80, v4, vm0, $0xb8;
	[tilespmem:$0x10200] =	vst v63  }
0x4a: {  	_ = 	snop  }
0x4b: {  	[tilespmem:s28], [sflag:$0x1] =	stream.indirect_vreg.gather [hbm4b:s1+s3], $0x80, v3, vm0, $0xb8;
	[tilespmem:$0x10200] =	vst v63  }
0x4c: {  	v3 =	vld [tilespmem:$0x50];
	_ =	sdelay $0x4  }
0x4d: {  	v37 =	vshll.u32 v3, $0x1  }
0x4e: {  	v3 =	vand.u32 $0x7, v3;
	v4 =	vand.u32 $0xFFFFFFF0, v37  }
0x4f: {  	v3 =	vor.u32 v3, v4  }
0x50: {  	v4 =	vperm.xlane v3, v0;
	_ =	sdelay $0x1  }
0x51: {  	v3 =	vperm.xlane v3, v2;
	v4 =	vadd.s32 v1, v4;
	_ =	sdelay $0x1  }
0x52: {  	v3 =	vadd.s32 v1, v3;
	_ =	sdelay $0x2  }
0x53: {  	[tilespmem:s29], [sflag:$0x1] =	stream.indirect_vreg.gather [hbm4b:s1+s3], $0x80, v4, vm0, $0xb8;
	[tilespmem:$0x10200] =	vst v63  }
0x54: {  	_ = 	snop  }
0x55: {  	[tilespmem:s30], [sflag:$0x1] =	stream.indirect_vreg.gather [hbm4b:s1+s3], $0x80, v3, vm0, $0xb8;
	[tilespmem:$0x10200] =	vst v63  }
0x56: {  	v3 =	vld [tilespmem:$0x60];
	_ =	sdelay $0x4  }
0x57: {  	v38 =	vshll.u32 v3, $0x1  }
0x58: {  	v3 =	vand.u32 $0x7, v3;
	v4 =	vand.u32 $0xFFFFFFF0, v38  }
0x59: {  	v3 =	vor.u32 v3, v4  }
0x5a: {  	v4 =	vperm.xlane v3, v0;
	_ =	sdelay $0x1  }
0x5b: {  	v3 =	vperm.xlane v3, v2;
	v4 =	vadd.s32 v1, v4;
	_ =	sdelay $0x1  }
0x5c: {  	v3 =	vadd.s32 v1, v3;
	_ =	sdelay $0x2  }
0x5d: {  	[tilespmem:s31], [sflag:$0x1] =	stream.indirect_vreg.gather [hbm4b:s1+s3], $0x80, v4, vm0, $0xb8;
	[tilespmem:$0x10200] =	vst v63  }
0x5e: {  	_ = 	snop  }
0x5f: {  	[tilespmem:s5], [sflag:$0x1] =	stream.indirect_vreg.gather [hbm4b:s1+s3], $0x80, v3, vm0, $0xb8;
	[tilespmem:$0x10200] =	vst v63  }
0x60: {  	v3 =	vld [tilespmem:$0x70];
	_ =	sdelay $0x4  }
0x61: {  	v39 =	vshll.u32 v3, $0x1  }
0x62: {  	v3 =	vand.u32 $0x7, v3;
	v4 =	vand.u32 $0xFFFFFFF0, v39  }
0x63: {  	v3 =	vor.u32 v3, v4  }
0x64: {  	v4 =	vperm.xlane v3, v0;
	_ =	sdelay $0x1  }
0x65: {  	v3 =	vperm.xlane v3, v2;
	v4 =	vadd.s32 v1, v4;
	_ =	sdelay $0x1  }
0x66: {  	v3 =	vadd.s32 v1, v3;
	_ =	sdelay $0x2  }
0x67: {  	[tilespmem:s2], [sflag:$0x1] =	stream.indirect_vreg.gather [hbm4b:s1+s3], $0x80, v4, vm0, $0xb8;
	[tilespmem:$0x10200] =	vst v63  }
0x68: {  	s0 =	simm.s32 $0x1  }
0x69: {  	[tilespmem:s7], [sflag:$0x1] =	stream.indirect_vreg.gather [hbm4b:s1+s3], $0x80, v3, vm0, $0xb8;
	[tilespmem:$0x10200] =	vst v63  }
0x6a: {  	_ =	swait.ge [sflag:s0], $0x8000  }
0x6b: {  	[sflag:s0] =	ssyncset.done $0x0  }
0x6c: {  	[sflag:s0] =	ssyncadd.s32 $0xFFFF8000  }
0x6d: {  	v3 =	vld [tilespmem:$0x80];
	_ =	sdelay $0x4  }
0x6e: {  	v40 =	vshll.u32 v3, $0x1  }
0x6f: {  	v3 =	vand.u32 $0x7, v3;
	v4 =	vand.u32 $0xFFFFFFF0, v40  }
0x70: {  	v3 =	vor.u32 v3, v4  }
0x71: {  	v4 =	vperm.xlane v3, v0;
	_ =	sdelay $0x1  }
0x72: {  	v3 =	vperm.xlane v3, v2;
	v4 =	vadd.s32 v1, v4;
	_ =	sdelay $0x1  }
0x73: {  	v3 =	vadd.s32 v1, v3;
	_ =	sdelay $0x2  }
0x74: {  	[tilespmem:s22], [sflag:$0x2] =	stream.indirect_vreg.gather [hbm4b:s1+s3], $0x80, v4, vm0, $0xb8;
	[tilespmem:$0x10200] =	vst v63  }
0x75: {  	_ = 	snop  }
0x76: {  	[tilespmem:s8], [sflag:$0x2] =	stream.indirect_vreg.gather [hbm4b:s1+s3], $0x80, v3, vm0, $0xb8;
	[tilespmem:$0x10200] =	vst v63  }
0x77: {  	v3 =	vld [tilespmem:$0x90];
	_ =	sdelay $0x4  }
0x78: {  	v41 =	vshll.u32 v3, $0x1  }
0x79: {  	v3 =	vand.u32 $0x7, v3;
	v4 =	vand.u32 $0xFFFFFFF0, v41  }
0x7a: {  	v3 =	vor.u32 v3, v4  }
0x7b: {  	v4 =	vperm.xlane v3, v0;
	_ =	sdelay $0x1  }
0x7c: {  	v3 =	vperm.xlane v3, v2;
	v4 =	vadd.s32 v1, v4;
	_ =	sdelay $0x1  }
0x7d: {  	v3 =	vadd.s32 v1, v3;
	_ =	sdelay $0x2  }
0x7e: {  	[tilespmem:s9], [sflag:$0x2] =	stream.indirect_vreg.gather [hbm4b:s1+s3], $0x80, v4, vm0, $0xb8;
	[tilespmem:$0x10200] =	vst v63  }
0x7f: {  	_ = 	snop  }
0x80: {  	[tilespmem:s10], [sflag:$0x2] =	stream.indirect_vreg.gather [hbm4b:s1+s3], $0x80, v3, vm0, $0xb8;
	[tilespmem:$0x10200] =	vst v63  }
0x81: {  	v3 =	vld [tilespmem:$0xA0];
	_ =	sdelay $0x4  }
0x82: {  	v42 =	vshll.u32 v3, $0x1  }
0x83: {  	v3 =	vand.u32 $0x7, v3;
	v4 =	vand.u32 $0xFFFFFFF0, v42  }
0x84: {  	v3 =	vor.u32 v3, v4  }
0x85: {  	v4 =	vperm.xlane v3, v0;
	_ =	sdelay $0x1  }
0x86: {  	v3 =	vperm.xlane v3, v2;
	v4 =	vadd.s32 v1, v4;
	_ =	sdelay $0x1  }
0x87: {  	v3 =	vadd.s32 v1, v3;
	_ =	sdelay $0x2  }
0x88: {  	[tilespmem:s11], [sflag:$0x2] =	stream.indirect_vreg.gather [hbm4b:s1+s3], $0x80, v4, vm0, $0xb8;
	[tilespmem:$0x10200] =	vst v63  }
0x89: {  	_ = 	snop  }
0x8a: {  	[tilespmem:s12], [sflag:$0x2] =	stream.indirect_vreg.gather [hbm4b:s1+s3], $0x80, v3, vm0, $0xb8;
	[tilespmem:$0x10200] =	vst v63  }
0x8b: {  	v3 =	vld [tilespmem:$0xB0];
	_ =	sdelay $0x4  }
0x8c: {  	v43 =	vshll.u32 v3, $0x1  }
0x8d: {  	v3 =	vand.u32 $0x7, v3;
	v4 =	vand.u32 $0xFFFFFFF0, v43  }
0x8e: {  	v3 =	vor.u32 v3, v4  }
0x8f: {  	v4 =	vperm.xlane v3, v0;
	_ =	sdelay $0x1  }
0x90: {  	v3 =	vperm.xlane v3, v2;
	v4 =	vadd.s32 v1, v4;
	_ =	sdelay $0x1  }
0x91: {  	v3 =	vadd.s32 v1, v3;
	_ =	sdelay $0x1  }
0x92: {  	s13 =	simm.s32 $0xB200  }
0x93: {  	[tilespmem:s13], [sflag:$0x2] =	stream.indirect_vreg.gather [hbm4b:s1+s3], $0x80, v4, vm0, $0xb8;
	[tilespmem:$0x10200] =	vst v63  }
0x94: {  	s16 =	simm.s32 $0xBA00  }
0x95: {  	[tilespmem:s16], [sflag:$0x2] =	stream.indirect_vreg.gather [hbm4b:s1+s3], $0x80, v3, vm0, $0xb8;
	[tilespmem:$0x10200] =	vst v63  }
0x96: {  	v3 =	vld [tilespmem:$0xC0];
	_ =	sdelay $0x4  }
0x97: {  	v44 =	vshll.u32 v3, $0x1  }
0x98: {  	v3 =	vand.u32 $0x7, v3;
	v4 =	vand.u32 $0xFFFFFFF0, v44  }
0x99: {  	v3 =	vor.u32 v3, v4  }
0x9a: {  	v4 =	vperm.xlane v3, v0;
	_ =	sdelay $0x1  }
0x9b: {  	v3 =	vperm.xlane v3, v2;
	v4 =	vadd.s32 v1, v4;
	_ =	sdelay $0x1  }
0x9c: {  	v3 =	vadd.s32 v1, v3;
	_ =	sdelay $0x2  }
0x9d: {  	[tilespmem:s23], [sflag:$0x2] =	stream.indirect_vreg.gather [hbm4b:s1+s3], $0x80, v4, vm0, $0xb8;
	[tilespmem:$0x10200] =	vst v63  }
0x9e: {  	s16 =	simm.s32 $0xCA00  }
0x9f: {  	[tilespmem:s16], [sflag:$0x2] =	stream.indirect_vreg.gather [hbm4b:s1+s3], $0x80, v3, vm0, $0xb8;
	[tilespmem:$0x10200] =	vst v63  }
0xa0: {  	v3 =	vld [tilespmem:$0xD0];
	_ =	sdelay $0x4  }
0xa1: {  	v45 =	vshll.u32 v3, $0x1  }
0xa2: {  	v3 =	vand.u32 $0x7, v3;
	v4 =	vand.u32 $0xFFFFFFF0, v45  }
0xa3: {  	v3 =	vor.u32 v3, v4  }
0xa4: {  	v4 =	vperm.xlane v3, v0;
	_ =	sdelay $0x1  }
0xa5: {  	v3 =	vperm.xlane v3, v2;
	v4 =	vadd.s32 v1, v4;
	_ =	sdelay $0x1  }
0xa6: {  	v3 =	vadd.s32 v1, v3;
	_ =	sdelay $0x1  }
0xa7: {  	s16 =	simm.s32 $0xD200  }
0xa8: {  	[tilespmem:s16], [sflag:$0x2] =	stream.indirect_vreg.gather [hbm4b:s1+s3], $0x80, v4, vm0, $0xb8;
	[tilespmem:$0x10200] =	vst v63  }
0xa9: {  	s16 =	simm.s32 $0xDA00  }
0xaa: {  	[tilespmem:s16], [sflag:$0x2] =	stream.indirect_vreg.gather [hbm4b:s1+s3], $0x80, v3, vm0, $0xb8;
	[tilespmem:$0x10200] =	vst v63  }
0xab: {  	v3 =	vld [tilespmem:$0xE0];
	_ =	sdelay $0x4  }
0xac: {  	v46 =	vshll.u32 v3, $0x1  }
0xad: {  	v3 =	vand.u32 $0x7, v3;
	v4 =	vand.u32 $0xFFFFFFF0, v46  }
0xae: {  	v3 =	vor.u32 v3, v4  }
0xaf: {  	v4 =	vperm.xlane v3, v0;
	_ =	sdelay $0x1  }
0xb0: {  	v3 =	vperm.xlane v3, v2;
	v4 =	vadd.s32 v1, v4;
	_ =	sdelay $0x1  }
0xb1: {  	v3 =	vadd.s32 v1, v3;
	_ =	sdelay $0x1  }
0xb2: {  	s16 =	simm.s32 $0xE200  }
0xb3: {  	[tilespmem:s16], [sflag:$0x2] =	stream.indirect_vreg.gather [hbm4b:s1+s3], $0x80, v4, vm0, $0xb8;
	[tilespmem:$0x10200] =	vst v63  }
0xb4: {  	s16 =	simm.s32 $0xEA00  }
0xb5: {  	[tilespmem:s16], [sflag:$0x2] =	stream.indirect_vreg.gather [hbm4b:s1+s3], $0x80, v3, vm0, $0xb8;
	[tilespmem:$0x10200] =	vst v63  }
0xb6: {  	v3 =	vld [tilespmem:$0xF0];
	_ =	sdelay $0x4  }
0xb7: {  	v47 =	vshll.u32 v3, $0x1  }
0xb8: {  	v3 =	vand.u32 $0x7, v3;
	v4 =	vand.u32 $0xFFFFFFF0, v47  }
0xb9: {  	v3 =	vor.u32 v3, v4  }
0xba: {  	v4 =	vperm.xlane v3, v0;
	_ =	sdelay $0x1  }
0xbb: {  	v3 =	vperm.xlane v3, v2;
	v4 =	vadd.s32 v1, v4;
	_ =	sdelay $0x1  }
0xbc: {  	v3 =	vadd.s32 v1, v3;
	_ =	sdelay $0x1  }
0xbd: {  	s16 =	simm.s32 $0xF200  }
0xbe: {  	[tilespmem:s16], [sflag:$0x2] =	stream.indirect_vreg.gather [hbm4b:s1+s3], $0x80, v4, vm0, $0xb8;
	[tilespmem:$0x10200] =	vst v63  }
0xbf: {  	s13 =	simm.s32 $0xFA00  }
0xc0: {  	[tilespmem:s13], [sflag:$0x2] =	stream.indirect_vreg.gather [hbm4b:s1+s3], $0x80, v3, vm0, $0xb8;
	[tilespmem:$0x10200] =	vst v63  }
0xc1: {  	s16 =	rddreg [dreg:$0x4];
	s13 =	simm.s32 $0x200  }
0xc2: {  	[hbm4b:s16+s3] =	stream.linear.scatter [tilespmem:s13], [sflag:$0x3], $0x8000, $0x38;
	[tilespmem:$0x10200] =	vst v63  }
0xc3: {  	_ =	swait.ge [sflag:s6], $0x8000  }
0xc4: {  	[sflag:s6] =	ssyncset.done $0x0  }
0xc5: {  	[sflag:s6] =	ssyncadd.s32 $0xFFFF8000  }
0xc6: {  	_ =	swait.ge [sflag:s14], $0x8000  }
0xc7: {  	[sflag:s14] =	ssyncset.done $0x0  }
0xc8: {  	[sflag:s14] =	ssyncadd.s32 $0xFFFF8000  }
0xc9: {  	v3 =	vld [tilespmem:$0x100];
	_ =	sdelay $0x4  }
0xca: {  	v48 =	vshll.u32 v3, $0x1  }
0xcb: {  	v3 =	vand.u32 $0x7, v3;
	v4 =	vand.u32 $0xFFFFFFF0, v48  }
0xcc: {  	v3 =	vor.u32 v3, v4  }
0xcd: {  	v4 =	vperm.xlane v3, v0;
	_ =	sdelay $0x1  }
0xce: {  	v3 =	vperm.xlane v3, v2;
	v4 =	vadd.s32 v1, v4;
	_ =	sdelay $0x1  }
0xcf: {  	v3 =	vadd.s32 v1, v3;
	_ =	sdelay $0x2  }
0xd0: {  	[tilespmem:s13], [sflag:$0x1] =	stream.indirect_vreg.gather [hbm4b:s1+s3], $0x80, v4, vm0, $0xb8;
	[tilespmem:$0x10200] =	vst v63  }
0xd1: {  	_ = 	snop  }
0xd2: {  	[tilespmem:s17], [sflag:$0x1] =	stream.indirect_vreg.gather [hbm4b:s1+s3], $0x80, v3, vm0, $0xb8;
	[tilespmem:$0x10200] =	vst v63  }
0xd3: {  	v3 =	vld [tilespmem:$0x110];
	_ =	sdelay $0x4  }
0xd4: {  	v49 =	vshll.u32 v3, $0x1  }
0xd5: {  	v3 =	vand.u32 $0x7, v3;
	v4 =	vand.u32 $0xFFFFFFF0, v49  }
0xd6: {  	v3 =	vor.u32 v3, v4  }
0xd7: {  	v4 =	vperm.xlane v3, v0;
	_ =	sdelay $0x1  }
0xd8: {  	v3 =	vperm.xlane v3, v2;
	v4 =	vadd.s32 v1, v4;
	_ =	sdelay $0x1  }
0xd9: {  	v3 =	vadd.s32 v1, v3;
	_ =	sdelay $0x2  }
0xda: {  	[tilespmem:s18], [sflag:$0x1] =	stream.indirect_vreg.gather [hbm4b:s1+s3], $0x80, v4, vm0, $0xb8;
	[tilespmem:$0x10200] =	vst v63  }
0xdb: {  	_ = 	snop  }
0xdc: {  	[tilespmem:s19], [sflag:$0x1] =	stream.indirect_vreg.gather [hbm4b:s1+s3], $0x80, v3, vm0, $0xb8;
	[tilespmem:$0x10200] =	vst v63  }
0xdd: {  	v3 =	vld [tilespmem:$0x120];
	_ =	sdelay $0x4  }
0xde: {  	v50 =	vshll.u32 v3, $0x1  }
0xdf: {  	v3 =	vand.u32 $0x7, v3;
	v4 =	vand.u32 $0xFFFFFFF0, v50  }
0xe0: {  	v3 =	vor.u32 v3, v4  }
0xe1: {  	v4 =	vperm.xlane v3, v0;
	_ =	sdelay $0x1  }
0xe2: {  	v3 =	vperm.xlane v3, v2;
	v4 =	vadd.s32 v1, v4;
	_ =	sdelay $0x1  }
0xe3: {  	v3 =	vadd.s32 v1, v3;
	_ =	sdelay $0x2  }
0xe4: {  	[tilespmem:s20], [sflag:$0x1] =	stream.indirect_vreg.gather [hbm4b:s1+s3], $0x80, v4, vm0, $0xb8;
	[tilespmem:$0x10200] =	vst v63  }
0xe5: {  	_ = 	snop  }
0xe6: {  	[tilespmem:s21], [sflag:$0x1] =	stream.indirect_vreg.gather [hbm4b:s1+s3], $0x80, v3, vm0, $0xb8;
	[tilespmem:$0x10200] =	vst v63  }
0xe7: {  	v3 =	vld [tilespmem:$0x130];
	_ =	sdelay $0x4  }
0xe8: {  	v51 =	vshll.u32 v3, $0x1  }
0xe9: {  	v3 =	vand.u32 $0x7, v3;
	v4 =	vand.u32 $0xFFFFFFF0, v51  }
0xea: {  	v3 =	vor.u32 v3, v4  }
0xeb: {  	v4 =	vperm.xlane v3, v0;
	_ =	sdelay $0x1  }
0xec: {  	v3 =	vperm.xlane v3, v2;
	v4 =	vadd.s32 v1, v4;
	_ =	sdelay $0x1  }
0xed: {  	v3 =	vadd.s32 v1, v3;
	_ =	sdelay $0x2  }
0xee: {  	[tilespmem:s24], [sflag:$0x1] =	stream.indirect_vreg.gather [hbm4b:s1+s3], $0x80, v4, vm0, $0xb8;
	[tilespmem:$0x10200] =	vst v63  }
0xef: {  	_ = 	snop  }
0xf0: {  	[tilespmem:s25], [sflag:$0x1] =	stream.indirect_vreg.gather [hbm4b:s1+s3], $0x80, v3, vm0, $0xb8;
	[tilespmem:$0x10200] =	vst v63  }
0xf1: {  	v3 =	vld [tilespmem:$0x140];
	_ =	sdelay $0x4  }
0xf2: {  	v52 =	vshll.u32 v3, $0x1  }
0xf3: {  	v3 =	vand.u32 $0x7, v3;
	v4 =	vand.u32 $0xFFFFFFF0, v52  }
0xf4: {  	v3 =	vor.u32 v3, v4  }
0xf5: {  	v4 =	vperm.xlane v3, v0;
	_ =	sdelay $0x1  }
0xf6: {  	v3 =	vperm.xlane v3, v2;
	v4 =	vadd.s32 v1, v4;
	_ =	sdelay $0x1  }
0xf7: {  	v3 =	vadd.s32 v1, v3;
	_ =	sdelay $0x2  }
0xf8: {  	[tilespmem:s26], [sflag:$0x1] =	stream.indirect_vreg.gather [hbm4b:s1+s3], $0x80, v4, vm0, $0xb8;
	[tilespmem:$0x10200] =	vst v63  }
0xf9: {  	_ = 	snop  }
0xfa: {  	[tilespmem:s28], [sflag:$0x1] =	stream.indirect_vreg.gather [hbm4b:s1+s3], $0x80, v3, vm0, $0xb8;
	[tilespmem:$0x10200] =	vst v63  }
0xfb: {  	v3 =	vld [tilespmem:$0x150];
	_ =	sdelay $0x4  }
0xfc: {  	v53 =	vshll.u32 v3, $0x1  }
0xfd: {  	v3 =	vand.u32 $0x7, v3;
	v4 =	vand.u32 $0xFFFFFFF0, v53  }
0xfe: {  	v3 =	vor.u32 v3, v4  }
0xff: {  	v4 =	vperm.xlane v3, v0;
	_ =	sdelay $0x1  }
0x100: {  	v3 =	vperm.xlane v3, v2;
	v4 =	vadd.s32 v1, v4;
	_ =	sdelay $0x1  }
0x101: {  	v3 =	vadd.s32 v1, v3;
	_ =	sdelay $0x2  }
0x102: {  	[tilespmem:s29], [sflag:$0x1] =	stream.indirect_vreg.gather [hbm4b:s1+s3], $0x80, v4, vm0, $0xb8;
	[tilespmem:$0x10200] =	vst v63  }
0x103: {  	_ = 	snop  }
0x104: {  	[tilespmem:s30], [sflag:$0x1] =	stream.indirect_vreg.gather [hbm4b:s1+s3], $0x80, v3, vm0, $0xb8;
	[tilespmem:$0x10200] =	vst v63  }
0x105: {  	v3 =	vld [tilespmem:$0x160];
	_ =	sdelay $0x4  }
0x106: {  	v54 =	vshll.u32 v3, $0x1  }
0x107: {  	v3 =	vand.u32 $0x7, v3;
	v4 =	vand.u32 $0xFFFFFFF0, v54  }
0x108: {  	v3 =	vor.u32 v3, v4  }
0x109: {  	v4 =	vperm.xlane v3, v0;
	_ =	sdelay $0x1  }
0x10a: {  	v3 =	vperm.xlane v3, v2;
	v4 =	vadd.s32 v1, v4;
	_ =	sdelay $0x1  }
0x10b: {  	v3 =	vadd.s32 v1, v3;
	_ =	sdelay $0x2  }
0x10c: {  	[tilespmem:s31], [sflag:$0x1] =	stream.indirect_vreg.gather [hbm4b:s1+s3], $0x80, v4, vm0, $0xb8;
	[tilespmem:$0x10200] =	vst v63  }
0x10d: {  	_ = 	snop  }
0x10e: {  	[tilespmem:s5], [sflag:$0x1] =	stream.indirect_vreg.gather [hbm4b:s1+s3], $0x80, v3, vm0, $0xb8;
	[tilespmem:$0x10200] =	vst v63  }
0x10f: {  	v3 =	vld [tilespmem:$0x170];
	_ =	sdelay $0x4  }
0x110: {  	v55 =	vshll.u32 v3, $0x1  }
0x111: {  	v3 =	vand.u32 $0x7, v3;
	v4 =	vand.u32 $0xFFFFFFF0, v55  }
0x112: {  	v3 =	vor.u32 v3, v4  }
0x113: {  	v4 =	vperm.xlane v3, v0;
	_ =	sdelay $0x1  }
0x114: {  	v3 =	vperm.xlane v3, v2;
	v4 =	vadd.s32 v1, v4;
	_ =	sdelay $0x1  }
0x115: {  	v3 =	vadd.s32 v1, v3;
	_ =	sdelay $0x2  }
0x116: {  	[tilespmem:s2], [sflag:$0x1] =	stream.indirect_vreg.gather [hbm4b:s1+s3], $0x80, v4, vm0, $0xb8;
	[tilespmem:$0x10200] =	vst v63  }
0x117: {  	_ = 	snop  }
0x118: {  	[tilespmem:s7], [sflag:$0x1] =	stream.indirect_vreg.gather [hbm4b:s1+s3], $0x80, v3, vm0, $0xb8;
	[tilespmem:$0x10200] =	vst v63  }
0x119: {  	s16 =	rddreg [dreg:$0x5]  }
0x11a: {  	[hbm4b:s16+s3] =	stream.linear.scatter [tilespmem:s22], [sflag:$0x4], $0x8000, $0x38;
	[tilespmem:$0x10200] =	vst v63  }
0x11b: {  	_ =	swait.ge [sflag:s0], $0x8000  }
0x11c: {  	[sflag:s0] =	ssyncset.done $0x0  }
0x11d: {  	[sflag:s0] =	ssyncadd.s32 $0xFFFF8000  }
0x11e: {  	_ =	swait.ge [sflag:s15], $0x8000  }
0x11f: {  	[sflag:s15] =	ssyncset.done $0x0  }
0x120: {  	[sflag:s15] =	ssyncadd.s32 $0xFFFF8000  }
0x121: {  	v3 =	vld [tilespmem:$0x180];
	_ =	sdelay $0x4  }
0x122: {  	v56 =	vshll.u32 v3, $0x1  }
0x123: {  	v3 =	vand.u32 $0x7, v3;
	v4 =	vand.u32 $0xFFFFFFF0, v56  }
0x124: {  	v3 =	vor.u32 v3, v4  }
0x125: {  	v4 =	vperm.xlane v3, v0;
	_ =	sdelay $0x1  }
0x126: {  	v3 =	vperm.xlane v3, v2;
	v4 =	vadd.s32 v1, v4;
	_ =	sdelay $0x1  }
0x127: {  	v3 =	vadd.s32 v1, v3;
	_ =	sdelay $0x2  }
0x128: {  	[tilespmem:s22], [sflag:$0x2] =	stream.indirect_vreg.gather [hbm4b:s1+s3], $0x80, v4, vm0, $0xb8;
	[tilespmem:$0x10200] =	vst v63  }
0x129: {  	_ = 	snop  }
0x12a: {  	[tilespmem:s8], [sflag:$0x2] =	stream.indirect_vreg.gather [hbm4b:s1+s3], $0x80, v3, vm0, $0xb8;
	[tilespmem:$0x10200] =	vst v63  }
0x12b: {  	v3 =	vld [tilespmem:$0x190];
	_ =	sdelay $0x4  }
0x12c: {  	v57 =	vshll.u32 v3, $0x1  }
0x12d: {  	v3 =	vand.u32 $0x7, v3;
	v4 =	vand.u32 $0xFFFFFFF0, v57  }
0x12e: {  	v3 =	vor.u32 v3, v4  }
0x12f: {  	v4 =	vperm.xlane v3, v0;
	_ =	sdelay $0x1  }
0x130: {  	v3 =	vperm.xlane v3, v2;
	v4 =	vadd.s32 v1, v4;
	_ =	sdelay $0x1  }
0x131: {  	v3 =	vadd.s32 v1, v3;
	_ =	sdelay $0x2  }
0x132: {  	[tilespmem:s9], [sflag:$0x2] =	stream.indirect_vreg.gather [hbm4b:s1+s3], $0x80, v4, vm0, $0xb8;
	[tilespmem:$0x10200] =	vst v63  }
0x133: {  	_ = 	snop  }
0x134: {  	[tilespmem:s10], [sflag:$0x2] =	stream.indirect_vreg.gather [hbm4b:s1+s3], $0x80, v3, vm0, $0xb8;
	[tilespmem:$0x10200] =	vst v63  }
0x135: {  	v3 =	vld [tilespmem:$0x1A0];
	_ =	sdelay $0x4  }
0x136: {  	v58 =	vshll.u32 v3, $0x1  }
0x137: {  	v3 =	vand.u32 $0x7, v3;
	v4 =	vand.u32 $0xFFFFFFF0, v58  }
0x138: {  	v3 =	vor.u32 v3, v4  }
0x139: {  	v4 =	vperm.xlane v3, v0;
	_ =	sdelay $0x1  }
0x13a: {  	v3 =	vperm.xlane v3, v2;
	v4 =	vadd.s32 v1, v4;
	_ =	sdelay $0x1  }
0x13b: {  	v3 =	vadd.s32 v1, v3;
	_ =	sdelay $0x2  }
0x13c: {  	[tilespmem:s11], [sflag:$0x2] =	stream.indirect_vreg.gather [hbm4b:s1+s3], $0x80, v4, vm0, $0xb8;
	[tilespmem:$0x10200] =	vst v63  }
0x13d: {  	_ = 	snop  }
0x13e: {  	[tilespmem:s12], [sflag:$0x2] =	stream.indirect_vreg.gather [hbm4b:s1+s3], $0x80, v3, vm0, $0xb8;
	[tilespmem:$0x10200] =	vst v63  }
0x13f: {  	v3 =	vld [tilespmem:$0x1B0];
	_ =	sdelay $0x4  }
0x140: {  	v59 =	vshll.u32 v3, $0x1  }
0x141: {  	v3 =	vand.u32 $0x7, v3;
	v4 =	vand.u32 $0xFFFFFFF0, v59  }
0x142: {  	v3 =	vor.u32 v3, v4  }
0x143: {  	v4 =	vperm.xlane v3, v0;
	_ =	sdelay $0x1  }
0x144: {  	v3 =	vperm.xlane v3, v2;
	v4 =	vadd.s32 v1, v4;
	_ =	sdelay $0x1  }
0x145: {  	v3 =	vadd.s32 v1, v3;
	_ =	sdelay $0x1  }
0x146: {  	s16 =	simm.s32 $0xB200  }
0x147: {  	[tilespmem:s16], [sflag:$0x2] =	stream.indirect_vreg.gather [hbm4b:s1+s3], $0x80, v4, vm0, $0xb8;
	[tilespmem:$0x10200] =	vst v63  }
0x148: {  	s16 =	simm.s32 $0xBA00  }
0x149: {  	[tilespmem:s16], [sflag:$0x2] =	stream.indirect_vreg.gather [hbm4b:s1+s3], $0x80, v3, vm0, $0xb8;
	[tilespmem:$0x10200] =	vst v63  }
0x14a: {  	v3 =	vld [tilespmem:$0x1C0];
	_ =	sdelay $0x4  }
0x14b: {  	v60 =	vshll.u32 v3, $0x1  }
0x14c: {  	v3 =	vand.u32 $0x7, v3;
	v4 =	vand.u32 $0xFFFFFFF0, v60  }
0x14d: {  	v3 =	vor.u32 v3, v4  }
0x14e: {  	v4 =	vperm.xlane v3, v0;
	_ =	sdelay $0x1  }
0x14f: {  	v3 =	vperm.xlane v3, v2;
	v4 =	vadd.s32 v1, v4;
	_ =	sdelay $0x1  }
0x150: {  	v3 =	vadd.s32 v1, v3;
	_ =	sdelay $0x2  }
0x151: {  	[tilespmem:s23], [sflag:$0x2] =	stream.indirect_vreg.gather [hbm4b:s1+s3], $0x80, v4, vm0, $0xb8;
	[tilespmem:$0x10200] =	vst v63  }
0x152: {  	s16 =	simm.s32 $0xCA00  }
0x153: {  	[tilespmem:s16], [sflag:$0x2] =	stream.indirect_vreg.gather [hbm4b:s1+s3], $0x80, v3, vm0, $0xb8;
	[tilespmem:$0x10200] =	vst v63  }
0x154: {  	v3 =	vld [tilespmem:$0x1D0];
	_ =	sdelay $0x4  }
0x155: {  	v61 =	vshll.u32 v3, $0x1  }
0x156: {  	v3 =	vand.u32 $0x7, v3;
	v4 =	vand.u32 $0xFFFFFFF0, v61  }
0x157: {  	v3 =	vor.u32 v3, v4  }
0x158: {  	v4 =	vperm.xlane v3, v0;
	_ =	sdelay $0x1  }
0x159: {  	v3 =	vperm.xlane v3, v2;
	v4 =	vadd.s32 v1, v4;
	_ =	sdelay $0x1  }
0x15a: {  	v3 =	vadd.s32 v1, v3;
	_ =	sdelay $0x1  }
0x15b: {  	s16 =	simm.s32 $0xD200  }
0x15c: {  	[tilespmem:s16], [sflag:$0x2] =	stream.indirect_vreg.gather [hbm4b:s1+s3], $0x80, v4, vm0, $0xb8;
	[tilespmem:$0x10200] =	vst v63  }
0x15d: {  	s16 =	simm.s32 $0xDA00  }
0x15e: {  	[tilespmem:s16], [sflag:$0x2] =	stream.indirect_vreg.gather [hbm4b:s1+s3], $0x80, v3, vm0, $0xb8;
	[tilespmem:$0x10200] =	vst v63  }
0x15f: {  	v3 =	vld [tilespmem:$0x1E0];
	_ =	sdelay $0x4  }
0x160: {  	v62 =	vshll.u32 v3, $0x1  }
0x161: {  	v3 =	vand.u32 $0x7, v3;
	v4 =	vand.u32 $0xFFFFFFF0, v62  }
0x162: {  	v3 =	vor.u32 v3, v4  }
0x163: {  	v4 =	vperm.xlane v3, v0;
	_ =	sdelay $0x1  }
0x164: {  	v3 =	vperm.xlane v3, v2;
	v4 =	vadd.s32 v1, v4;
	_ =	sdelay $0x1  }
0x165: {  	v3 =	vadd.s32 v1, v3;
	_ =	sdelay $0x1  }
0x166: {  	s16 =	simm.s32 $0xE200  }
0x167: {  	[tilespmem:s16], [sflag:$0x2] =	stream.indirect_vreg.gather [hbm4b:s1+s3], $0x80, v4, vm0, $0xb8;
	[tilespmem:$0x10200] =	vst v63  }
0x168: {  	s16 =	simm.s32 $0xEA00  }
0x169: {  	[tilespmem:s16], [sflag:$0x2] =	stream.indirect_vreg.gather [hbm4b:s1+s3], $0x80, v3, vm0, $0xb8;
	[tilespmem:$0x10200] =	vst v63  }
0x16a: {  	v3 =	vld [tilespmem:$0x1F0];
	_ =	sdelay $0x4  }
0x16b: {  	v63 =	vshll.u32 v3, $0x1  }
0x16c: {  	v3 =	vand.u32 $0x7, v3;
	v4 =	vand.u32 $0xFFFFFFF0, v63  }
0x16d: {  	v3 =	vor.u32 v3, v4  }
0x16e: {  	v4 =	vperm.xlane v3, v0;
	_ =	sdelay $0x1  }
0x16f: {  	v3 =	vperm.xlane v3, v2;
	v4 =	vadd.s32 v1, v4;
	_ =	sdelay $0x1  }
0x170: {  	v3 =	vadd.s32 v1, v3;
	_ =	sdelay $0x1  }
0x171: {  	s16 =	simm.s32 $0xF200  }
0x172: {  	[tilespmem:s16], [sflag:$0x2] =	stream.indirect_vreg.gather [hbm4b:s1+s3], $0x80, v4, vm0, $0xb8;
	[tilespmem:$0x10200] =	vst v63  }
0x173: {  	s0 =	simm.s32 $0xFA00  }
0x174: {  	[tilespmem:s0], [sflag:$0x2] =	stream.indirect_vreg.gather [hbm4b:s1+s3], $0x80, v3, vm0, $0xb8;
	[tilespmem:$0x10200] =	vst v63  }
0x175: {  	s13 =	simm.s32 $0x200;
	s16 =	rddreg [dreg:$0x6]  }
0x176: {  	[hbm4b:s16+s3] =	stream.linear.scatter [tilespmem:s13], [sflag:$0x3], $0x8000, $0x38;
	[tilespmem:$0x10200] =	vst v63  }
0x177: {  	_ =	swait.ge [sflag:s6], $0x8000  }
0x178: {  	[sflag:s6] =	ssyncset.done $0x0  }
0x179: {  	s13 =	rddreg [dreg:$0x7];
	[sflag:s6] =	ssyncadd.s32 $0xFFFF8000  }
0x17a: {  	[hbm4b:s13+s3] =	stream.linear.scatter [tilespmem:s22], [sflag:$0x4], $0x8000, $0x38;
	[tilespmem:$0x10200] =	vst v63  }
0x17b: {  	p0 =	sne.s32 s4, $0x1;
	_ =	swait.ge [sflag:s14], $0x8000  }
.Ltmp0:
0x17c: {  	[sflag:s14] =	ssyncset.done $0x0;
	(pc) =	sbr.rel @p0 .LBB2_1-.Ltmp0, $4  }
0x17d: {  	[sflag:s14] =	ssyncadd.s32 $0xFFFF8000  }
0x17e: {  	_ =	swait.ge [sflag:s15], $0x8000  }
0x17f: {  	[sflag:s15] =	ssyncset.done $0x0  }
0x180: {  	s4 =	sadd.s32 $0xFFFFFFFF, s4;
	[sflag:s15] =	ssyncadd.s32 $0xFFFF8000  }
0x181: {  	_ =	sfence.sel $0x180000  }
0x182: {  	[bflag:$0x0] =	sbarrier.arrive $0xFFFF  }
0x183: {  	_ =	strace $0x90000047  }
0x184: {  	s0 =	stileid.u32;
	[bflag:$0x2] =	sbarrier.arrive $0xFFFF  }
0x185: {  	p0 =	sne.s32 s0, $0x0;
	s0 =	rddreg [dreg:$0x2]  }
0x186: {  	s0 =	sadd.s32 @!p0 $0x100000, s0  }
0x187: {  	[sflag:s0] =	ssyncadd.tile.s32 @!p0 $0x1;
	_ =	shalt  }
.Lfunc_end2:
_tile_overlayer_lowered:
.L_overlay_start_2:
0x188: {  	(tag) =	ssettag $0x2  }
0x189: {  	s0 =	rddreg [dreg:$0x0];
	s2 =	stileid.u32  }
0x18a: {  	s1 =	rddreg [dreg:$0x1];
	p0 =	sne.s32 s2, $0x0  }
0x18b: {  	s3 =	rddreg [dreg:$0x2];
	[bflag:$0x3] =	sbarrier.arrive $0xFFFF;
	s2 =	simm.s32 @!p0 $0x1C05  }
0x18c: {  	[timem:s3], [sflag:s2] =	dma.local @!p0 [hbm:s0], s1  }
0x18d: {  	s0 =	simm.s32 @!p0 $0x5  }
0x18e: {  	_ =	swait.ge @!p0 [sflag:s0], s1  }
0x18f: {  	s1 =	ssub.s32 @!p0 $0x0, s1;
	[sflag:s0] =	ssyncset.done @!p0 $0x0  }
0x190: {  	[sflag:s0] =	ssyncadd.s32 @!p0 s1  }
0x191: {  	[bflag:$0x3] =	sbarrier.arrive $0xFFFF  }
0x192: {  	_ =	shalt  }

</sc_bundles>
